<compile_context>
chip_gen: v7x
topology: tpu7x:2x2x1
jax: 0.10.2.dev20260603
libtpu: 0.0.44.dev20260713+nightly
codegen_flags: <defaults>
</compile_context>

<pallas_src>
import functools

import jax
import jax.numpy as jnp
from jax import lax
from jax.experimental import pallas as pl
from jax.experimental.pallas import tpu as pltpu
from jax.experimental.pallas import tpu_sc as plsc

D_MODEL = 64
B_TOTAL = 4096 * 50

_info = plsc.get_sparse_core_info()
_NC, _NS = _info.num_cores, _info.num_subcores
_NW = _NC * _NS
_B_PER_W = B_TOTAL // _NW
_CHUNK = 128
_N_CHUNKS = _B_PER_W // _CHUNK
_GROUP = 5
_G_ROWS = _GROUP * _CHUNK
_N_GROUPS = _N_CHUNKS // _GROUP

_mesh = plsc.VectorSubcoreMesh(core_axis_name="c", subcore_axis_name="s")


@functools.partial(
    pl.kernel,
    out_type=jax.ShapeDtypeStruct((B_TOTAL, D_MODEL), jnp.float32),
    mesh=_mesh,
    scratch_types=[
        pltpu.VMEM((_B_PER_W,), jnp.int32),
        pltpu.VMEM((2, _G_ROWS, D_MODEL), jnp.float32),
        pltpu.SemaphoreType.DMA,
        pltpu.SemaphoreType.DMA,
        pltpu.SemaphoreType.DMA,
    ],
    compiler_params=pltpu.CompilerParams(use_tc_tiling_on_sc=False),
)
def _gather_kernel(src_hbm, table_hbm, out_hbm, idx_v, rows_v, gsem,
                   osem0, osem1):
    wid = lax.axis_index("s") * _NC + lax.axis_index("c")
    row_base = wid * _B_PER_W

    pltpu.async_copy(src_hbm.at[pl.ds(row_base, _B_PER_W)], idx_v, gsem).wait()

    osems = (osem0, osem1)

    def out_copy(g, b):
        return pltpu.make_async_copy(
            rows_v.at[b],
            out_hbm.at[pl.ds(row_base + g * _G_ROWS, _G_ROWS)],
            osems[b])

    def fill(g, b):
        copies = [
            pltpu.async_copy(
                table_hbm.at[idx_v.at[pl.ds((g * _GROUP + j) * _CHUNK, _CHUNK)]],
                rows_v.at[b, pl.ds(j * _CHUNK, _CHUNK)],
                gsem)
            for j in range(_GROUP)
        ]
        for c in copies:
            c.wait()
        out_copy(g, b).start()

    fill(0, 0)
    fill(1, 1)

    def body(h, carry):
        g = 2 * h
        out_copy(g - 2, 0).wait()
        fill(g, 0)
        out_copy(g - 1, 1).wait()
        fill(g + 1, 1)
        return carry

    lax.fori_loop(1, _N_GROUPS // 2, body, 0)
    out_copy(_N_GROUPS - 2, 0).wait()
    out_copy(_N_GROUPS - 1, 1).wait()


def kernel(src, weight):
    flat = src.reshape(-1).astype(jnp.int32)
    out = _gather_kernel(flat, weight)
    return out.reshape(src.shape[0], src.shape[1], D_MODEL)

# --- scband reference (transcript-rebuilt; emitter-appended) ---
"""Pipeline reference for scband-embedding-22823456211552 (READ-ONLY COPY).

The authoritative reference and input builder live on the scoring server;
editing this copy changes nothing except your own understanding.
"""

import jax, jax.numpy as jnp
import numpy as np

N_TOKEN = 1000000
D_MODEL = 64

def setup_inputs(seed: int = 0) -> dict:
    key = jax.random.key(seed)
    k1, k2 = jax.random.split(key)
    src = jax.random.randint(k1, (4096, 50), 0, N_TOKEN, dtype=jnp.int64 if jax.config.jax_enable_x64 else jnp.int32)
    weight = jax.random.normal(k2, (N_TOKEN, D_MODEL), dtype=jnp.float32)
    return {"src": src, "weight": weight}

def reference(src, weight):
    # nn.Embedding lookup: out[b, l, :] = weight[src[b, l], :]
    return jnp.take(weight, src, axis=0)

if __name__ == "__main__":
    import jax
    _d = setup_inputs()
    print(jax.jit(kernel)(*tuple(_d.values())))

</pallas_src>

<mosaic_0001>
#map = affine_map<(d0, d1) -> (0)>
#map1 = affine_map<(d0, d1) -> (0, 0)>
module attributes {stable_mosaic.version = 14 : i64} {
  func.func @_gather_kernel(%arg0: i32, %arg1: i32, %arg2: memref<204800xi32, #tpu.memory_space<hbm>>, %arg3: memref<1000000x64xf32, #tpu.memory_space<hbm>>, %arg4: memref<204800x64xf32, #tpu.memory_space<hbm>>, %arg5: memref<6400xi32, #tpu.memory_space<vmem>>, %arg6: memref<2x640x64xf32, #tpu.memory_space<vmem>>, %arg7: memref<!tpu.dma_semaphore, #tpu.memory_space<semaphore_mem>>, %arg8: memref<!tpu.dma_semaphore, #tpu.memory_space<semaphore_mem>>, %arg9: memref<!tpu.dma_semaphore, #tpu.memory_space<semaphore_mem>>) attributes {dimension_semantics = [#tpu.dimension_semantics<core_parallel>, #tpu.dimension_semantics<subcore_parallel>], iteration_bounds = array<i64: 2, 16>, scalar_prefetch = 0 : i64, scratch_operands = 5 : i64, tpu.core_type = #tpu.core_type<sc_vector_subcore>, window_params = [{transform_indices = #map}, {transform_indices = #map1}, {transform_indices = #map1}]} {
    %mul3A = arith.constant 2 : i32
    %mul3A_0 = arith.muli %arg1, %mul3A : i32
    %add3A = arith.addi %mul3A_0, %arg0 : i32
    %mul3A_1 = arith.constant 6400 : i32
    %mul3A_2 = arith.muli %add3A, %mul3A_1 : i32
    %dma_start3A = tpu.memref_slice %arg2[%mul3A_2] : memref<204800xi32, #tpu.memory_space<hbm>> -> memref<6400xi32, #tpu.memory_space<hbm>>
    %dma_start3A_3 = tpu.memref_slice %arg2[%mul3A_2] : memref<204800xi32, #tpu.memory_space<hbm>> -> memref<6400xi32, #tpu.memory_space<hbm>>
    tpu.enqueue_dma source(%dma_start3A_3 : memref<6400xi32, #tpu.memory_space<hbm>>) target(%arg5 : memref<6400xi32, #tpu.memory_space<vmem>>) target_semaphore(%arg7 : memref<!tpu.dma_semaphore, #tpu.memory_space<semaphore_mem>>)
    %dma_wait3A = tpu.memref_slice %arg2[%mul3A_2] : memref<204800xi32, #tpu.memory_space<hbm>> -> memref<6400xi32, #tpu.memory_space<hbm>>
    %dma_wait3A_4 = tpu.memref_slice %arg2[%mul3A_2] : memref<204800xi32, #tpu.memory_space<hbm>> -> memref<6400xi32, #tpu.memory_space<hbm>>
    tpu.wait_dma2 semaphore(%arg7 : memref<!tpu.dma_semaphore, #tpu.memory_space<semaphore_mem>>) src(%dma_wait3A_4 : memref<6400xi32, #tpu.memory_space<hbm>>) dst(%arg5 : memref<6400xi32, #tpu.memory_space<vmem>>)
    %dma_start3A_5 = arith.constant 0 : i32
    %dma_start3A_6 = arith.constant 0 : i32
    %dma_start3A_7 = arith.constant 0 : i32
    %dma_start3A_8 = tpu.memref_slice %arg6[%dma_start3A_5, %dma_start3A_6, %dma_start3A_7] : memref<2x640x64xf32, #tpu.memory_space<vmem>> -> memref<1x128x64xf32, #tpu.memory_space<vmem>>
    %dma_start3A_9 = tpu.memref_squeeze %dma_start3A_8 : memref<1x128x64xf32, #tpu.memory_space<vmem>> -> memref<128x64xf32, #tpu.memory_space<vmem>>
    %dma_start3A_10 = arith.constant 0 : i32
    %dma_start3A_11 = tpu.memref_slice %arg5[%dma_start3A_10] : memref<6400xi32, #tpu.memory_space<vmem>> -> memref<128xi32, #tpu.memory_space<vmem>>
    %dma_start3A_12 = arith.constant 0 : i32
    %dma_start3A_13 = arith.constant 0 : i32
    %dma_start3A_14 = tpu.memref_slice %arg3[%dma_start3A_12, %dma_start3A_13] : memref<1000000x64xf32, #tpu.memory_space<hbm>> -> memref<1000000x64xf32, #tpu.memory_space<hbm>>
    tpu.enqueue_indirect_dma source(%dma_start3A_14 : memref<1000000x64xf32, #tpu.memory_space<hbm>>) target(%dma_start3A_9 : memref<128x64xf32, #tpu.memory_space<vmem>>) offsets(%dma_start3A_11 : memref<128xi32, #tpu.memory_space<vmem>>) semaphore(%arg7 : memref<!tpu.dma_semaphore, #tpu.memory_space<semaphore_mem>>)
    %dma_start3A_15 = arith.constant 0 : i32
    %dma_start3A_16 = arith.constant 128 : i32
    %dma_start3A_17 = arith.constant 0 : i32
    %dma_start3A_18 = tpu.memref_slice %arg6[%dma_start3A_15, %dma_start3A_16, %dma_start3A_17] : memref<2x640x64xf32, #tpu.memory_space<vmem>> -> memref<1x128x64xf32, #tpu.memory_space<vmem>>
    %dma_start3A_19 = tpu.memref_squeeze %dma_start3A_18 : memref<1x128x64xf32, #tpu.memory_space<vmem>> -> memref<128x64xf32, #tpu.memory_space<vmem>>
    %dma_start3A_20 = arith.constant 128 : i32
    %dma_start3A_21 = tpu.memref_slice %arg5[%dma_start3A_20] : memref<6400xi32, #tpu.memory_space<vmem>> -> memref<128xi32, #tpu.memory_space<vmem>>
    %dma_start3A_22 = arith.constant 0 : i32
    %dma_start3A_23 = arith.constant 0 : i32
    %dma_start3A_24 = tpu.memref_slice %arg3[%dma_start3A_22, %dma_start3A_23] : memref<1000000x64xf32, #tpu.memory_space<hbm>> -> memref<1000000x64xf32, #tpu.memory_space<hbm>>
    tpu.enqueue_indirect_dma source(%dma_start3A_24 : memref<1000000x64xf32, #tpu.memory_space<hbm>>) target(%dma_start3A_19 : memref<128x64xf32, #tpu.memory_space<vmem>>) offsets(%dma_start3A_21 : memref<128xi32, #tpu.memory_space<vmem>>) semaphore(%arg7 : memref<!tpu.dma_semaphore, #tpu.memory_space<semaphore_mem>>)
    %dma_start3A_25 = arith.constant 0 : i32
    %dma_start3A_26 = arith.constant 256 : i32
    %dma_start3A_27 = arith.constant 0 : i32
    %dma_start3A_28 = tpu.memref_slice %arg6[%dma_start3A_25, %dma_start3A_26, %dma_start3A_27] : memref<2x640x64xf32, #tpu.memory_space<vmem>> -> memref<1x128x64xf32, #tpu.memory_space<vmem>>
    %dma_start3A_29 = tpu.memref_squeeze %dma_start3A_28 : memref<1x128x64xf32, #tpu.memory_space<vmem>> -> memref<128x64xf32, #tpu.memory_space<vmem>>
    %dma_start3A_30 = arith.constant 256 : i32
    %dma_start3A_31 = tpu.memref_slice %arg5[%dma_start3A_30] : memref<6400xi32, #tpu.memory_space<vmem>> -> memref<128xi32, #tpu.memory_space<vmem>>
    %dma_start3A_32 = arith.constant 0 : i32
    %dma_start3A_33 = arith.constant 0 : i32
    %dma_start3A_34 = tpu.memref_slice %arg3[%dma_start3A_32, %dma_start3A_33] : memref<1000000x64xf32, #tpu.memory_space<hbm>> -> memref<1000000x64xf32, #tpu.memory_space<hbm>>
    tpu.enqueue_indirect_dma source(%dma_start3A_34 : memref<1000000x64xf32, #tpu.memory_space<hbm>>) target(%dma_start3A_29 : memref<128x64xf32, #tpu.memory_space<vmem>>) offsets(%dma_start3A_31 : memref<128xi32, #tpu.memory_space<vmem>>) semaphore(%arg7 : memref<!tpu.dma_semaphore, #tpu.memory_space<semaphore_mem>>)
    %dma_start3A_35 = arith.constant 0 : i32
    %dma_start3A_36 = arith.constant 384 : i32
    %dma_start3A_37 = arith.constant 0 : i32
    %dma_start3A_38 = tpu.memref_slice %arg6[%dma_start3A_35, %dma_start3A_36, %dma_start3A_37] : memref<2x640x64xf32, #tpu.memory_space<vmem>> -> memref<1x128x64xf32, #tpu.memory_space<vmem>>
    %dma_start3A_39 = tpu.memref_squeeze %dma_start3A_38 : memref<1x128x64xf32, #tpu.memory_space<vmem>> -> memref<128x64xf32, #tpu.memory_space<vmem>>
    %dma_start3A_40 = arith.constant 384 : i32
    %dma_start3A_41 = tpu.memref_slice %arg5[%dma_start3A_40] : memref<6400xi32, #tpu.memory_space<vmem>> -> memref<128xi32, #tpu.memory_space<vmem>>
    %dma_start3A_42 = arith.constant 0 : i32
    %dma_start3A_43 = arith.constant 0 : i32
    %dma_start3A_44 = tpu.memref_slice %arg3[%dma_start3A_42, %dma_start3A_43] : memref<1000000x64xf32, #tpu.memory_space<hbm>> -> memref<1000000x64xf32, #tpu.memory_space<hbm>>
    tpu.enqueue_indirect_dma source(%dma_start3A_44 : memref<1000000x64xf32, #tpu.memory_space<hbm>>) target(%dma_start3A_39 : memref<128x64xf32, #tpu.memory_space<vmem>>) offsets(%dma_start3A_41 : memref<128xi32, #tpu.memory_space<vmem>>) semaphore(%arg7 : memref<!tpu.dma_semaphore, #tpu.memory_space<semaphore_mem>>)
    %dma_start3A_45 = arith.constant 0 : i32
    %dma_start3A_46 = arith.constant 512 : i32
    %dma_start3A_47 = arith.constant 0 : i32
    %dma_start3A_48 = tpu.memref_slice %arg6[%dma_start3A_45, %dma_start3A_46, %dma_start3A_47] : memref<2x640x64xf32, #tpu.memory_space<vmem>> -> memref<1x128x64xf32, #tpu.memory_space<vmem>>
    %dma_start3A_49 = tpu.memref_squeeze %dma_start3A_48 : memref<1x128x64xf32, #tpu.memory_space<vmem>> -> memref<128x64xf32, #tpu.memory_space<vmem>>
    %dma_start3A_50 = arith.constant 512 : i32
    %dma_start3A_51 = tpu.memref_slice %arg5[%dma_start3A_50] : memref<6400xi32, #tpu.memory_space<vmem>> -> memref<128xi32, #tpu.memory_space<vmem>>
    %dma_start3A_52 = arith.constant 0 : i32
    %dma_start3A_53 = arith.constant 0 : i32
    %dma_start3A_54 = tpu.memref_slice %arg3[%dma_start3A_52, %dma_start3A_53] : memref<1000000x64xf32, #tpu.memory_space<hbm>> -> memref<1000000x64xf32, #tpu.memory_space<hbm>>
    tpu.enqueue_indirect_dma source(%dma_start3A_54 : memref<1000000x64xf32, #tpu.memory_space<hbm>>) target(%dma_start3A_49 : memref<128x64xf32, #tpu.memory_space<vmem>>) offsets(%dma_start3A_51 : memref<128xi32, #tpu.memory_space<vmem>>) semaphore(%arg7 : memref<!tpu.dma_semaphore, #tpu.memory_space<semaphore_mem>>)
    %dma_wait3A_55 = arith.constant 0 : i32
    %dma_wait3A_56 = arith.constant 0 : i32
    %dma_wait3A_57 = arith.constant 0 : i32
    %dma_wait3A_58 = tpu.memref_slice %arg6[%dma_wait3A_55, %dma_wait3A_56, %dma_wait3A_57] : memref<2x640x64xf32, #tpu.memory_space<vmem>> -> memref<1x128x64xf32, #tpu.memory_space<vmem>>
    %dma_wait3A_59 = tpu.memref_squeeze %dma_wait3A_58 : memref<1x128x64xf32, #tpu.memory_space<vmem>> -> memref<128x64xf32, #tpu.memory_space<vmem>>
    %dma_wait3A_60 = arith.constant 0 : i32
    %dma_wait3A_61 = tpu.memref_slice %arg5[%dma_wait3A_60] : memref<6400xi32, #tpu.memory_space<vmem>> -> memref<128xi32, #tpu.memory_space<vmem>>
    %dma_wait3A_62 = arith.constant 0 : i32
    %dma_wait3A_63 = arith.constant 0 : i32
    %dma_wait3A_64 = tpu.memref_slice %arg3[%dma_wait3A_62, %dma_wait3A_63] : memref<1000000x64xf32, #tpu.memory_space<hbm>> -> memref<1000000x64xf32, #tpu.memory_space<hbm>>
    tpu.wait_indirect_dma semaphore(%arg7 : memref<!tpu.dma_semaphore, #tpu.memory_space<semaphore_mem>>) src(%dma_wait3A_64 : memref<1000000x64xf32, #tpu.memory_space<hbm>>) dst(%dma_wait3A_59 : memref<128x64xf32, #tpu.memory_space<vmem>>)
    %dma_wait3A_65 = arith.constant 0 : i32
    %dma_wait3A_66 = arith.constant 128 : i32
    %dma_wait3A_67 = arith.constant 0 : i32
    %dma_wait3A_68 = tpu.memref_slice %arg6[%dma_wait3A_65, %dma_wait3A_66, %dma_wait3A_67] : memref<2x640x64xf32, #tpu.memory_space<vmem>> -> memref<1x128x64xf32, #tpu.memory_space<vmem>>
    %dma_wait3A_69 = tpu.memref_squeeze %dma_wait3A_68 : memref<1x128x64xf32, #tpu.memory_space<vmem>> -> memref<128x64xf32, #tpu.memory_space<vmem>>
    %dma_wait3A_70 = arith.constant 128 : i32
    %dma_wait3A_71 = tpu.memref_slice %arg5[%dma_wait3A_70] : memref<6400xi32, #tpu.memory_space<vmem>> -> memref<128xi32, #tpu.memory_space<vmem>>
    %dma_wait3A_72 = arith.constant 0 : i32
    %dma_wait3A_73 = arith.constant 0 : i32
    %dma_wait3A_74 = tpu.memref_slice %arg3[%dma_wait3A_72, %dma_wait3A_73] : memref<1000000x64xf32, #tpu.memory_space<hbm>> -> memref<1000000x64xf32, #tpu.memory_space<hbm>>
    tpu.wait_indirect_dma semaphore(%arg7 : memref<!tpu.dma_semaphore, #tpu.memory_space<semaphore_mem>>) src(%dma_wait3A_74 : memref<1000000x64xf32, #tpu.memory_space<hbm>>) dst(%dma_wait3A_69 : memref<128x64xf32, #tpu.memory_space<vmem>>)
    %dma_wait3A_75 = arith.constant 0 : i32
    %dma_wait3A_76 = arith.constant 256 : i32
    %dma_wait3A_77 = arith.constant 0 : i32
    %dma_wait3A_78 = tpu.memref_slice %arg6[%dma_wait3A_75, %dma_wait3A_76, %dma_wait3A_77] : memref<2x640x64xf32, #tpu.memory_space<vmem>> -> memref<1x128x64xf32, #tpu.memory_space<vmem>>
    %dma_wait3A_79 = tpu.memref_squeeze %dma_wait3A_78 : memref<1x128x64xf32, #tpu.memory_space<vmem>> -> memref<128x64xf32, #tpu.memory_space<vmem>>
    %dma_wait3A_80 = arith.constant 256 : i32
    %dma_wait3A_81 = tpu.memref_slice %arg5[%dma_wait3A_80] : memref<6400xi32, #tpu.memory_space<vmem>> -> memref<128xi32, #tpu.memory_space<vmem>>
    %dma_wait3A_82 = arith.constant 0 : i32
    %dma_wait3A_83 = arith.constant 0 : i32
    %dma_wait3A_84 = tpu.memref_slice %arg3[%dma_wait3A_82, %dma_wait3A_83] : memref<1000000x64xf32, #tpu.memory_space<hbm>> -> memref<1000000x64xf32, #tpu.memory_space<hbm>>
    tpu.wait_indirect_dma semaphore(%arg7 : memref<!tpu.dma_semaphore, #tpu.memory_space<semaphore_mem>>) src(%dma_wait3A_84 : memref<1000000x64xf32, #tpu.memory_space<hbm>>) dst(%dma_wait3A_79 : memref<128x64xf32, #tpu.memory_space<vmem>>)
    %dma_wait3A_85 = arith.constant 0 : i32
    %dma_wait3A_86 = arith.constant 384 : i32
    %dma_wait3A_87 = arith.constant 0 : i32
    %dma_wait3A_88 = tpu.memref_slice %arg6[%dma_wait3A_85, %dma_wait3A_86, %dma_wait3A_87] : memref<2x640x64xf32, #tpu.memory_space<vmem>> -> memref<1x128x64xf32, #tpu.memory_space<vmem>>
    %dma_wait3A_89 = tpu.memref_squeeze %dma_wait3A_88 : memref<1x128x64xf32, #tpu.memory_space<vmem>> -> memref<128x64xf32, #tpu.memory_space<vmem>>
    %dma_wait3A_90 = arith.constant 384 : i32
    %dma_wait3A_91 = tpu.memref_slice %arg5[%dma_wait3A_90] : memref<6400xi32, #tpu.memory_space<vmem>> -> memref<128xi32, #tpu.memory_space<vmem>>
    %dma_wait3A_92 = arith.constant 0 : i32
    %dma_wait3A_93 = arith.constant 0 : i32
    %dma_wait3A_94 = tpu.memref_slice %arg3[%dma_wait3A_92, %dma_wait3A_93] : memref<1000000x64xf32, #tpu.memory_space<hbm>> -> memref<1000000x64xf32, #tpu.memory_space<hbm>>
    tpu.wait_indirect_dma semaphore(%arg7 : memref<!tpu.dma_semaphore, #tpu.memory_space<semaphore_mem>>) src(%dma_wait3A_94 : memref<1000000x64xf32, #tpu.memory_space<hbm>>) dst(%dma_wait3A_89 : memref<128x64xf32, #tpu.memory_space<vmem>>)
    %dma_wait3A_95 = arith.constant 0 : i32
    %dma_wait3A_96 = arith.constant 512 : i32
    %dma_wait3A_97 = arith.constant 0 : i32
    %dma_wait3A_98 = tpu.memref_slice %arg6[%dma_wait3A_95, %dma_wait3A_96, %dma_wait3A_97] : memref<2x640x64xf32, #tpu.memory_space<vmem>> -> memref<1x128x64xf32, #tpu.memory_space<vmem>>
    %dma_wait3A_99 = tpu.memref_squeeze %dma_wait3A_98 : memref<1x128x64xf32, #tpu.memory_space<vmem>> -> memref<128x64xf32, #tpu.memory_space<vmem>>
    %dma_wait3A_100 = arith.constant 512 : i32
    %dma_wait3A_101 = tpu.memref_slice %arg5[%dma_wait3A_100] : memref<6400xi32, #tpu.memory_space<vmem>> -> memref<128xi32, #tpu.memory_space<vmem>>
    %dma_wait3A_102 = arith.constant 0 : i32
    %dma_wait3A_103 = arith.constant 0 : i32
    %dma_wait3A_104 = tpu.memref_slice %arg3[%dma_wait3A_102, %dma_wait3A_103] : memref<1000000x64xf32, #tpu.memory_space<hbm>> -> memref<1000000x64xf32, #tpu.memory_space<hbm>>
    tpu.wait_indirect_dma semaphore(%arg7 : memref<!tpu.dma_semaphore, #tpu.memory_space<semaphore_mem>>) src(%dma_wait3A_104 : memref<1000000x64xf32, #tpu.memory_space<hbm>>) dst(%dma_wait3A_99 : memref<128x64xf32, #tpu.memory_space<vmem>>)
    %add3A_105 = arith.constant 0 : i32
    %add3A_106 = arith.addi %mul3A_2, %add3A_105 : i32
    %dma_start3A_107 = arith.constant 0 : i32
    %dma_start3A_108 = arith.constant 0 : i32
    %dma_start3A_109 = arith.constant 0 : i32
    %dma_start3A_110 = tpu.memref_slice %arg6[%dma_start3A_107, %dma_start3A_108, %dma_start3A_109] : memref<2x640x64xf32, #tpu.memory_space<vmem>> -> memref<1x640x64xf32, #tpu.memory_space<vmem>>
    %dma_start3A_111 = tpu.memref_squeeze %dma_start3A_110 : memref<1x640x64xf32, #tpu.memory_space<vmem>> -> memref<640x64xf32, #tpu.memory_space<vmem>>
    %dma_start3A_112 = arith.constant 0 : i32
    %dma_start3A_113 = tpu.memref_slice %arg4[%add3A_106, %dma_start3A_112] : memref<204800x64xf32, #tpu.memory_space<hbm>> -> memref<640x64xf32, #tpu.memory_space<hbm>>
    %dma_start3A_114 = arith.constant 0 : i32
    %dma_start3A_115 = tpu.memref_slice %arg4[%add3A_106, %dma_start3A_114] : memref<204800x64xf32, #tpu.memory_space<hbm>> -> memref<640x64xf32, #tpu.memory_space<hbm>>
    %dma_start3A_116 = arith.constant 0 : i32
    %dma_start3A_117 = arith.constant 0 : i32
    %dma_start3A_118 = tpu.memref_slice %arg6[%dma_start3A_107, %dma_start3A_116, %dma_start3A_117] : memref<2x640x64xf32, #tpu.memory_space<vmem>> -> memref<1x640x64xf32, #tpu.memory_space<vmem>>
    %dma_start3A_119 = tpu.memref_squeeze %dma_start3A_118 : memref<1x640x64xf32, #tpu.memory_space<vmem>> -> memref<640x64xf32, #tpu.memory_space<vmem>>
    tpu.enqueue_dma source(%dma_start3A_119 : memref<640x64xf32, #tpu.memory_space<vmem>>) target(%dma_start3A_115 : memref<640x64xf32, #tpu.memory_space<hbm>>) target_semaphore(%arg8 : memref<!tpu.dma_semaphore, #tpu.memory_space<semaphore_mem>>)
    %dma_start3A_120 = arith.constant 1 : i32
    %dma_start3A_121 = arith.constant 0 : i32
    %dma_start3A_122 = arith.constant 0 : i32
    %dma_start3A_123 = tpu.memref_slice %arg6[%dma_start3A_120, %dma_start3A_121, %dma_start3A_122] : memref<2x640x64xf32, #tpu.memory_space<vmem>> -> memref<1x128x64xf32, #tpu.memory_space<vmem>>
    %dma_start3A_124 = tpu.memref_squeeze %dma_start3A_123 : memref<1x128x64xf32, #tpu.memory_space<vmem>> -> memref<128x64xf32, #tpu.memory_space<vmem>>
    %dma_start3A_125 = arith.constant 640 : i32
    %dma_start3A_126 = tpu.memref_slice %arg5[%dma_start3A_125] : memref<6400xi32, #tpu.memory_space<vmem>> -> memref<128xi32, #tpu.memory_space<vmem>>
    %dma_start3A_127 = arith.constant 0 : i32
    %dma_start3A_128 = arith.constant 0 : i32
    %dma_start3A_129 = tpu.memref_slice %arg3[%dma_start3A_127, %dma_start3A_128] : memref<1000000x64xf32, #tpu.memory_space<hbm>> -> memref<1000000x64xf32, #tpu.memory_space<hbm>>
    tpu.enqueue_indirect_dma source(%dma_start3A_129 : memref<1000000x64xf32, #tpu.memory_space<hbm>>) target(%dma_start3A_124 : memref<128x64xf32, #tpu.memory_space<vmem>>) offsets(%dma_start3A_126 : memref<128xi32, #tpu.memory_space<vmem>>) semaphore(%arg7 : memref<!tpu.dma_semaphore, #tpu.memory_space<semaphore_mem>>)
    %dma_start3A_130 = arith.constant 1 : i32
    %dma_start3A_131 = arith.constant 128 : i32
    %dma_start3A_132 = arith.constant 0 : i32
    %dma_start3A_133 = tpu.memref_slice %arg6[%dma_start3A_130, %dma_start3A_131, %dma_start3A_132] : memref<2x640x64xf32, #tpu.memory_space<vmem>> -> memref<1x128x64xf32, #tpu.memory_space<vmem>>
    %dma_start3A_134 = tpu.memref_squeeze %dma_start3A_133 : memref<1x128x64xf32, #tpu.memory_space<vmem>> -> memref<128x64xf32, #tpu.memory_space<vmem>>
    %dma_start3A_135 = arith.constant 768 : i32
    %dma_start3A_136 = tpu.memref_slice %arg5[%dma_start3A_135] : memref<6400xi32, #tpu.memory_space<vmem>> -> memref<128xi32, #tpu.memory_space<vmem>>
    %dma_start3A_137 = arith.constant 0 : i32
    %dma_start3A_138 = arith.constant 0 : i32
    %dma_start3A_139 = tpu.memref_slice %arg3[%dma_start3A_137, %dma_start3A_138] : memref<1000000x64xf32, #tpu.memory_space<hbm>> -> memref<1000000x64xf32, #tpu.memory_space<hbm>>
    tpu.enqueue_indirect_dma source(%dma_start3A_139 : memref<1000000x64xf32, #tpu.memory_space<hbm>>) target(%dma_start3A_134 : memref<128x64xf32, #tpu.memory_space<vmem>>) offsets(%dma_start3A_136 : memref<128xi32, #tpu.memory_space<vmem>>) semaphore(%arg7 : memref<!tpu.dma_semaphore, #tpu.memory_space<semaphore_mem>>)
    %dma_start3A_140 = arith.constant 1 : i32
    %dma_start3A_141 = arith.constant 256 : i32
    %dma_start3A_142 = arith.constant 0 : i32
    %dma_start3A_143 = tpu.memref_slice %arg6[%dma_start3A_140, %dma_start3A_141, %dma_start3A_142] : memref<2x640x64xf32, #tpu.memory_space<vmem>> -> memref<1x128x64xf32, #tpu.memory_space<vmem>>
    %dma_start3A_144 = tpu.memref_squeeze %dma_start3A_143 : memref<1x128x64xf32, #tpu.memory_space<vmem>> -> memref<128x64xf32, #tpu.memory_space<vmem>>
    %dma_start3A_145 = arith.constant 896 : i32
    %dma_start3A_146 = tpu.memref_slice %arg5[%dma_start3A_145] : memref<6400xi32, #tpu.memory_space<vmem>> -> memref<128xi32, #tpu.memory_space<vmem>>
    %dma_start3A_147 = arith.constant 0 : i32
    %dma_start3A_148 = arith.constant 0 : i32
    %dma_start3A_149 = tpu.memref_slice %arg3[%dma_start3A_147, %dma_start3A_148] : memref<1000000x64xf32, #tpu.memory_space<hbm>> -> memref<1000000x64xf32, #tpu.memory_space<hbm>>
    tpu.enqueue_indirect_dma source(%dma_start3A_149 : memref<1000000x64xf32, #tpu.memory_space<hbm>>) target(%dma_start3A_144 : memref<128x64xf32, #tpu.memory_space<vmem>>) offsets(%dma_start3A_146 : memref<128xi32, #tpu.memory_space<vmem>>) semaphore(%arg7 : memref<!tpu.dma_semaphore, #tpu.memory_space<semaphore_mem>>)
    %dma_start3A_150 = arith.constant 1 : i32
    %dma_start3A_151 = arith.constant 384 : i32
    %dma_start3A_152 = arith.constant 0 : i32
    %dma_start3A_153 = tpu.memref_slice %arg6[%dma_start3A_150, %dma_start3A_151, %dma_start3A_152] : memref<2x640x64xf32, #tpu.memory_space<vmem>> -> memref<1x128x64xf32, #tpu.memory_space<vmem>>
    %dma_start3A_154 = tpu.memref_squeeze %dma_start3A_153 : memref<1x128x64xf32, #tpu.memory_space<vmem>> -> memref<128x64xf32, #tpu.memory_space<vmem>>
    %dma_start3A_155 = arith.constant 1024 : i32
    %dma_start3A_156 = tpu.memref_slice %arg5[%dma_start3A_155] : memref<6400xi32, #tpu.memory_space<vmem>> -> memref<128xi32, #tpu.memory_space<vmem>>
    %dma_start3A_157 = arith.constant 0 : i32
    %dma_start3A_158 = arith.constant 0 : i32
    %dma_start3A_159 = tpu.memref_slice %arg3[%dma_start3A_157, %dma_start3A_158] : memref<1000000x64xf32, #tpu.memory_space<hbm>> -> memref<1000000x64xf32, #tpu.memory_space<hbm>>
    tpu.enqueue_indirect_dma source(%dma_start3A_159 : memref<1000000x64xf32, #tpu.memory_space<hbm>>) target(%dma_start3A_154 : memref<128x64xf32, #tpu.memory_space<vmem>>) offsets(%dma_start3A_156 : memref<128xi32, #tpu.memory_space<vmem>>) semaphore(%arg7 : memref<!tpu.dma_semaphore, #tpu.memory_space<semaphore_mem>>)
    %dma_start3A_160 = arith.constant 1 : i32
    %dma_start3A_161 = arith.constant 512 : i32
    %dma_start3A_162 = arith.constant 0 : i32
    %dma_start3A_163 = tpu.memref_slice %arg6[%dma_start3A_160, %dma_start3A_161, %dma_start3A_162] : memref<2x640x64xf32, #tpu.memory_space<vmem>> -> memref<1x128x64xf32, #tpu.memory_space<vmem>>
    %dma_start3A_164 = tpu.memref_squeeze %dma_start3A_163 : memref<1x128x64xf32, #tpu.memory_space<vmem>> -> memref<128x64xf32, #tpu.memory_space<vmem>>
    %dma_start3A_165 = arith.constant 1152 : i32
    %dma_start3A_166 = tpu.memref_slice %arg5[%dma_start3A_165] : memref<6400xi32, #tpu.memory_space<vmem>> -> memref<128xi32, #tpu.memory_space<vmem>>
    %dma_start3A_167 = arith.constant 0 : i32
    %dma_start3A_168 = arith.constant 0 : i32
    %dma_start3A_169 = tpu.memref_slice %arg3[%dma_start3A_167, %dma_start3A_168] : memref<1000000x64xf32, #tpu.memory_space<hbm>> -> memref<1000000x64xf32, #tpu.memory_space<hbm>>
    tpu.enqueue_indirect_dma source(%dma_start3A_169 : memref<1000000x64xf32, #tpu.memory_space<hbm>>) target(%dma_start3A_164 : memref<128x64xf32, #tpu.memory_space<vmem>>) offsets(%dma_start3A_166 : memref<128xi32, #tpu.memory_space<vmem>>) semaphore(%arg7 : memref<!tpu.dma_semaphore, #tpu.memory_space<semaphore_mem>>)
    %dma_wait3A_170 = arith.constant 1 : i32
    %dma_wait3A_171 = arith.constant 0 : i32
    %dma_wait3A_172 = arith.constant 0 : i32
    %dma_wait3A_173 = tpu.memref_slice %arg6[%dma_wait3A_170, %dma_wait3A_171, %dma_wait3A_172] : memref<2x640x64xf32, #tpu.memory_space<vmem>> -> memref<1x128x64xf32, #tpu.memory_space<vmem>>
    %dma_wait3A_174 = tpu.memref_squeeze %dma_wait3A_173 : memref<1x128x64xf32, #tpu.memory_space<vmem>> -> memref<128x64xf32, #tpu.memory_space<vmem>>
    %dma_wait3A_175 = arith.constant 640 : i32
    %dma_wait3A_176 = tpu.memref_slice %arg5[%dma_wait3A_175] : memref<6400xi32, #tpu.memory_space<vmem>> -> memref<128xi32, #tpu.memory_space<vmem>>
    %dma_wait3A_177 = arith.constant 0 : i32
    %dma_wait3A_178 = arith.constant 0 : i32
    %dma_wait3A_179 = tpu.memref_slice %arg3[%dma_wait3A_177, %dma_wait3A_178] : memref<1000000x64xf32, #tpu.memory_space<hbm>> -> memref<1000000x64xf32, #tpu.memory_space<hbm>>
    tpu.wait_indirect_dma semaphore(%arg7 : memref<!tpu.dma_semaphore, #tpu.memory_space<semaphore_mem>>) src(%dma_wait3A_179 : memref<1000000x64xf32, #tpu.memory_space<hbm>>) dst(%dma_wait3A_174 : memref<128x64xf32, #tpu.memory_space<vmem>>)
    %dma_wait3A_180 = arith.constant 1 : i32
    %dma_wait3A_181 = arith.constant 128 : i32
    %dma_wait3A_182 = arith.constant 0 : i32
    %dma_wait3A_183 = tpu.memref_slice %arg6[%dma_wait3A_180, %dma_wait3A_181, %dma_wait3A_182] : memref<2x640x64xf32, #tpu.memory_space<vmem>> -> memref<1x128x64xf32, #tpu.memory_space<vmem>>
    %dma_wait3A_184 = tpu.memref_squeeze %dma_wait3A_183 : memref<1x128x64xf32, #tpu.memory_space<vmem>> -> memref<128x64xf32, #tpu.memory_space<vmem>>
    %dma_wait3A_185 = arith.constant 768 : i32
    %dma_wait3A_186 = tpu.memref_slice %arg5[%dma_wait3A_185] : memref<6400xi32, #tpu.memory_space<vmem>> -> memref<128xi32, #tpu.memory_space<vmem>>
    %dma_wait3A_187 = arith.constant 0 : i32
    %dma_wait3A_188 = arith.constant 0 : i32
    %dma_wait3A_189 = tpu.memref_slice %arg3[%dma_wait3A_187, %dma_wait3A_188] : memref<1000000x64xf32, #tpu.memory_space<hbm>> -> memref<1000000x64xf32, #tpu.memory_space<hbm>>
    tpu.wait_indirect_dma semaphore(%arg7 : memref<!tpu.dma_semaphore, #tpu.memory_space<semaphore_mem>>) src(%dma_wait3A_189 : memref<1000000x64xf32, #tpu.memory_space<hbm>>) dst(%dma_wait3A_184 : memref<128x64xf32, #tpu.memory_space<vmem>>)
    %dma_wait3A_190 = arith.constant 1 : i32
    %dma_wait3A_191 = arith.constant 256 : i32
    %dma_wait3A_192 = arith.constant 0 : i32
    %dma_wait3A_193 = tpu.memref_slice %arg6[%dma_wait3A_190, %dma_wait3A_191, %dma_wait3A_192] : memref<2x640x64xf32, #tpu.memory_space<vmem>> -> memref<1x128x64xf32, #tpu.memory_space<vmem>>
    %dma_wait3A_194 = tpu.memref_squeeze %dma_wait3A_193 : memref<1x128x64xf32, #tpu.memory_space<vmem>> -> memref<128x64xf32, #tpu.memory_space<vmem>>
    %dma_wait3A_195 = arith.constant 896 : i32
    %dma_wait3A_196 = tpu.memref_slice %arg5[%dma_wait3A_195] : memref<6400xi32, #tpu.memory_space<vmem>> -> memref<128xi32, #tpu.memory_space<vmem>>
    %dma_wait3A_197 = arith.constant 0 : i32
    %dma_wait3A_198 = arith.constant 0 : i32
    %dma_wait3A_199 = tpu.memref_slice %arg3[%dma_wait3A_197, %dma_wait3A_198] : memref<1000000x64xf32, #tpu.memory_space<hbm>> -> memref<1000000x64xf32, #tpu.memory_space<hbm>>
    tpu.wait_indirect_dma semaphore(%arg7 : memref<!tpu.dma_semaphore, #tpu.memory_space<semaphore_mem>>) src(%dma_wait3A_199 : memref<1000000x64xf32, #tpu.memory_space<hbm>>) dst(%dma_wait3A_194 : memref<128x64xf32, #tpu.memory_space<vmem>>)
    %dma_wait3A_200 = arith.constant 1 : i32
    %dma_wait3A_201 = arith.constant 384 : i32
    %dma_wait3A_202 = arith.constant 0 : i32
    %dma_wait3A_203 = tpu.memref_slice %arg6[%dma_wait3A_200, %dma_wait3A_201, %dma_wait3A_202] : memref<2x640x64xf32, #tpu.memory_space<vmem>> -> memref<1x128x64xf32, #tpu.memory_space<vmem>>
    %dma_wait3A_204 = tpu.memref_squeeze %dma_wait3A_203 : memref<1x128x64xf32, #tpu.memory_space<vmem>> -> memref<128x64xf32, #tpu.memory_space<vmem>>
    %dma_wait3A_205 = arith.constant 1024 : i32
    %dma_wait3A_206 = tpu.memref_slice %arg5[%dma_wait3A_205] : memref<6400xi32, #tpu.memory_space<vmem>> -> memref<128xi32, #tpu.memory_space<vmem>>
    %dma_wait3A_207 = arith.constant 0 : i32
    %dma_wait3A_208 = arith.constant 0 : i32
    %dma_wait3A_209 = tpu.memref_slice %arg3[%dma_wait3A_207, %dma_wait3A_208] : memref<1000000x64xf32, #tpu.memory_space<hbm>> -> memref<1000000x64xf32, #tpu.memory_space<hbm>>
    tpu.wait_indirect_dma semaphore(%arg7 : memref<!tpu.dma_semaphore, #tpu.memory_space<semaphore_mem>>) src(%dma_wait3A_209 : memref<1000000x64xf32, #tpu.memory_space<hbm>>) dst(%dma_wait3A_204 : memref<128x64xf32, #tpu.memory_space<vmem>>)
    %dma_wait3A_210 = arith.constant 1 : i32
    %dma_wait3A_211 = arith.constant 512 : i32
    %dma_wait3A_212 = arith.constant 0 : i32
    %dma_wait3A_213 = tpu.memref_slice %arg6[%dma_wait3A_210, %dma_wait3A_211, %dma_wait3A_212] : memref<2x640x64xf32, #tpu.memory_space<vmem>> -> memref<1x128x64xf32, #tpu.memory_space<vmem>>
    %dma_wait3A_214 = tpu.memref_squeeze %dma_wait3A_213 : memref<1x128x64xf32, #tpu.memory_space<vmem>> -> memref<128x64xf32, #tpu.memory_space<vmem>>
    %dma_wait3A_215 = arith.constant 1152 : i32
    %dma_wait3A_216 = tpu.memref_slice %arg5[%dma_wait3A_215] : memref<6400xi32, #tpu.memory_space<vmem>> -> memref<128xi32, #tpu.memory_space<vmem>>
    %dma_wait3A_217 = arith.constant 0 : i32
    %dma_wait3A_218 = arith.constant 0 : i32
    %dma_wait3A_219 = tpu.memref_slice %arg3[%dma_wait3A_217, %dma_wait3A_218] : memref<1000000x64xf32, #tpu.memory_space<hbm>> -> memref<1000000x64xf32, #tpu.memory_space<hbm>>
    tpu.wait_indirect_dma semaphore(%arg7 : memref<!tpu.dma_semaphore, #tpu.memory_space<semaphore_mem>>) src(%dma_wait3A_219 : memref<1000000x64xf32, #tpu.memory_space<hbm>>) dst(%dma_wait3A_214 : memref<128x64xf32, #tpu.memory_space<vmem>>)
    %add3A_220 = arith.constant 640 : i32
    %add3A_221 = arith.addi %mul3A_2, %add3A_220 : i32
    %dma_start3A_222 = arith.constant 1 : i32
    %dma_start3A_223 = arith.constant 0 : i32
    %dma_start3A_224 = arith.constant 0 : i32
    %dma_start3A_225 = tpu.memref_slice %arg6[%dma_start3A_222, %dma_start3A_223, %dma_start3A_224] : memref<2x640x64xf32, #tpu.memory_space<vmem>> -> memref<1x640x64xf32, #tpu.memory_space<vmem>>
    %dma_start3A_226 = tpu.memref_squeeze %dma_start3A_225 : memref<1x640x64xf32, #tpu.memory_space<vmem>> -> memref<640x64xf32, #tpu.memory_space<vmem>>
    %dma_start3A_227 = arith.constant 0 : i32
    %dma_start3A_228 = tpu.memref_slice %arg4[%add3A_221, %dma_start3A_227] : memref<204800x64xf32, #tpu.memory_space<hbm>> -> memref<640x64xf32, #tpu.memory_space<hbm>>
    %dma_start3A_229 = arith.constant 0 : i32
    %dma_start3A_230 = tpu.memref_slice %arg4[%add3A_221, %dma_start3A_229] : memref<204800x64xf32, #tpu.memory_space<hbm>> -> memref<640x64xf32, #tpu.memory_space<hbm>>
    %dma_start3A_231 = arith.constant 0 : i32
    %dma_start3A_232 = arith.constant 0 : i32
    %dma_start3A_233 = tpu.memref_slice %arg6[%dma_start3A_222, %dma_start3A_231, %dma_start3A_232] : memref<2x640x64xf32, #tpu.memory_space<vmem>> -> memref<1x640x64xf32, #tpu.memory_space<vmem>>
    %dma_start3A_234 = tpu.memref_squeeze %dma_start3A_233 : memref<1x640x64xf32, #tpu.memory_space<vmem>> -> memref<640x64xf32, #tpu.memory_space<vmem>>
    tpu.enqueue_dma source(%dma_start3A_234 : memref<640x64xf32, #tpu.memory_space<vmem>>) target(%dma_start3A_230 : memref<640x64xf32, #tpu.memory_space<hbm>>) target_semaphore(%arg9 : memref<!tpu.dma_semaphore, #tpu.memory_space<semaphore_mem>>)
    %scan3A = arith.constant 0 : i32
    %scan3A_235 = arith.constant 1 : i32
    %scan3A_236 = arith.constant 4 : i32
    %scan3A_237 = arith.addi %scan3A_235, %scan3A_236 : i32
    %scan3A_238 = arith.constant 1 : i32
    scf.for %scan3A_270 = %scan3A_235 to %scan3A_237 step %scan3A_238  : i32 {
      %mul3A_271 = arith.constant 2 : i32
      %mul3A_272 = arith.muli %mul3A_271, %scan3A_270 : i32
      %sub3A = arith.constant 2 : i32
      %sub3A_273 = arith.subi %mul3A_272, %sub3A : i32
      %mul3A_274 = arith.constant 640 : i32
      %mul3A_275 = arith.muli %sub3A_273, %mul3A_274 : i32
      %add3A_276 = arith.addi %mul3A_2, %mul3A_275 : i32
      %dma_wait3A_277 = arith.constant 0 : i32
      %dma_wait3A_278 = arith.constant 0 : i32
      %dma_wait3A_279 = arith.constant 0 : i32
      %dma_wait3A_280 = tpu.memref_slice %arg6[%dma_wait3A_277, %dma_wait3A_278, %dma_wait3A_279] : memref<2x640x64xf32, #tpu.memory_space<vmem>> -> memref<1x640x64xf32, #tpu.memory_space<vmem>>
      %dma_wait3A_281 = tpu.memref_squeeze %dma_wait3A_280 : memref<1x640x64xf32, #tpu.memory_space<vmem>> -> memref<640x64xf32, #tpu.memory_space<vmem>>
      %dma_wait3A_282 = arith.constant 0 : i32
      %dma_wait3A_283 = tpu.memref_slice %arg4[%add3A_276, %dma_wait3A_282] : memref<204800x64xf32, #tpu.memory_space<hbm>> -> memref<640x64xf32, #tpu.memory_space<hbm>>
      %dma_wait3A_284 = arith.constant 0 : i32
      %dma_wait3A_285 = tpu.memref_slice %arg4[%add3A_276, %dma_wait3A_284] : memref<204800x64xf32, #tpu.memory_space<hbm>> -> memref<640x64xf32, #tpu.memory_space<hbm>>
      %dma_wait3A_286 = arith.constant 0 : i32
      %dma_wait3A_287 = arith.constant 0 : i32
      %dma_wait3A_288 = tpu.memref_slice %arg6[%dma_wait3A_277, %dma_wait3A_286, %dma_wait3A_287] : memref<2x640x64xf32, #tpu.memory_space<vmem>> -> memref<1x640x64xf32, #tpu.memory_space<vmem>>
      %dma_wait3A_289 = tpu.memref_squeeze %dma_wait3A_288 : memref<1x640x64xf32, #tpu.memory_space<vmem>> -> memref<640x64xf32, #tpu.memory_space<vmem>>
      tpu.wait_dma2 semaphore(%arg8 : memref<!tpu.dma_semaphore, #tpu.memory_space<semaphore_mem>>) src(%dma_wait3A_289 : memref<640x64xf32, #tpu.memory_space<vmem>>) dst(%dma_wait3A_285 : memref<640x64xf32, #tpu.memory_space<hbm>>)
      %mul3A_290 = arith.constant 5 : i32
      %mul3A_291 = arith.muli %mul3A_272, %mul3A_290 : i32
      %add3A_292 = arith.constant 0 : i32
      %add3A_293 = arith.addi %mul3A_291, %add3A_292 : i32
      %mul3A_294 = arith.constant 128 : i32
      %mul3A_295 = arith.muli %add3A_293, %mul3A_294 : i32
      %dma_start3A_296 = arith.constant 0 : i32
      %dma_start3A_297 = arith.constant 0 : i32
      %dma_start3A_298 = arith.constant 0 : i32
      %dma_start3A_299 = tpu.memref_slice %arg6[%dma_start3A_296, %dma_start3A_297, %dma_start3A_298] : memref<2x640x64xf32, #tpu.memory_space<vmem>> -> memref<1x128x64xf32, #tpu.memory_space<vmem>>
      %dma_start3A_300 = tpu.memref_squeeze %dma_start3A_299 : memref<1x128x64xf32, #tpu.memory_space<vmem>> -> memref<128x64xf32, #tpu.memory_space<vmem>>
      %dma_start3A_301 = tpu.memref_slice %arg5[%mul3A_295] : memref<6400xi32, #tpu.memory_space<vmem>> -> memref<128xi32, #tpu.memory_space<vmem>>
      %dma_start3A_302 = arith.constant 0 : i32
      %dma_start3A_303 = arith.constant 0 : i32
      %dma_start3A_304 = tpu.memref_slice %arg3[%dma_start3A_302, %dma_start3A_303] : memref<1000000x64xf32, #tpu.memory_space<hbm>> -> memref<1000000x64xf32, #tpu.memory_space<hbm>>
      tpu.enqueue_indirect_dma source(%dma_start3A_304 : memref<1000000x64xf32, #tpu.memory_space<hbm>>) target(%dma_start3A_300 : memref<128x64xf32, #tpu.memory_space<vmem>>) offsets(%dma_start3A_301 : memref<128xi32, #tpu.memory_space<vmem>>) semaphore(%arg7 : memref<!tpu.dma_semaphore, #tpu.memory_space<semaphore_mem>>)
      %mul3A_305 = arith.constant 5 : i32
      %mul3A_306 = arith.muli %mul3A_272, %mul3A_305 : i32
      %add3A_307 = arith.constant 1 : i32
      %add3A_308 = arith.addi %mul3A_306, %add3A_307 : i32
      %mul3A_309 = arith.constant 128 : i32
      %mul3A_310 = arith.muli %add3A_308, %mul3A_309 : i32
      %dma_start3A_311 = arith.constant 0 : i32
      %dma_start3A_312 = arith.constant 128 : i32
      %dma_start3A_313 = arith.constant 0 : i32
      %dma_start3A_314 = tpu.memref_slice %arg6[%dma_start3A_311, %dma_start3A_312, %dma_start3A_313] : memref<2x640x64xf32, #tpu.memory_space<vmem>> -> memref<1x128x64xf32, #tpu.memory_space<vmem>>
      %dma_start3A_315 = tpu.memref_squeeze %dma_start3A_314 : memref<1x128x64xf32, #tpu.memory_space<vmem>> -> memref<128x64xf32, #tpu.memory_space<vmem>>
      %dma_start3A_316 = tpu.memref_slice %arg5[%mul3A_310] : memref<6400xi32, #tpu.memory_space<vmem>> -> memref<128xi32, #tpu.memory_space<vmem>>
      %dma_start3A_317 = arith.constant 0 : i32
      %dma_start3A_318 = arith.constant 0 : i32
      %dma_start3A_319 = tpu.memref_slice %arg3[%dma_start3A_317, %dma_start3A_318] : memref<1000000x64xf32, #tpu.memory_space<hbm>> -> memref<1000000x64xf32, #tpu.memory_space<hbm>>
      tpu.enqueue_indirect_dma source(%dma_start3A_319 : memref<1000000x64xf32, #tpu.memory_space<hbm>>) target(%dma_start3A_315 : memref<128x64xf32, #tpu.memory_space<vmem>>) offsets(%dma_start3A_316 : memref<128xi32, #tpu.memory_space<vmem>>) semaphore(%arg7 : memref<!tpu.dma_semaphore, #tpu.memory_space<semaphore_mem>>)
      %mul3A_320 = arith.constant 5 : i32
      %mul3A_321 = arith.muli %mul3A_272, %mul3A_320 : i32
      %add3A_322 = arith.constant 2 : i32
      %add3A_323 = arith.addi %mul3A_321, %add3A_322 : i32
      %mul3A_324 = arith.constant 128 : i32
      %mul3A_325 = arith.muli %add3A_323, %mul3A_324 : i32
      %dma_start3A_326 = arith.constant 0 : i32
      %dma_start3A_327 = arith.constant 256 : i32
      %dma_start3A_328 = arith.constant 0 : i32
      %dma_start3A_329 = tpu.memref_slice %arg6[%dma_start3A_326, %dma_start3A_327, %dma_start3A_328] : memref<2x640x64xf32, #tpu.memory_space<vmem>> -> memref<1x128x64xf32, #tpu.memory_space<vmem>>
      %dma_start3A_330 = tpu.memref_squeeze %dma_start3A_329 : memref<1x128x64xf32, #tpu.memory_space<vmem>> -> memref<128x64xf32, #tpu.memory_space<vmem>>
      %dma_start3A_331 = tpu.memref_slice %arg5[%mul3A_325] : memref<6400xi32, #tpu.memory_space<vmem>> -> memref<128xi32, #tpu.memory_space<vmem>>
      %dma_start3A_332 = arith.constant 0 : i32
      %dma_start3A_333 = arith.constant 0 : i32
      %dma_start3A_334 = tpu.memref_slice %arg3[%dma_start3A_332, %dma_start3A_333] : memref<1000000x64xf32, #tpu.memory_space<hbm>> -> memref<1000000x64xf32, #tpu.memory_space<hbm>>
      tpu.enqueue_indirect_dma source(%dma_start3A_334 : memref<1000000x64xf32, #tpu.memory_space<hbm>>) target(%dma_start3A_330 : memref<128x64xf32, #tpu.memory_space<vmem>>) offsets(%dma_start3A_331 : memref<128xi32, #tpu.memory_space<vmem>>) semaphore(%arg7 : memref<!tpu.dma_semaphore, #tpu.memory_space<semaphore_mem>>)
      %mul3A_335 = arith.constant 5 : i32
      %mul3A_336 = arith.muli %mul3A_272, %mul3A_335 : i32
      %add3A_337 = arith.constant 3 : i32
      %add3A_338 = arith.addi %mul3A_336, %add3A_337 : i32
      %mul3A_339 = arith.constant 128 : i32
      %mul3A_340 = arith.muli %add3A_338, %mul3A_339 : i32
      %dma_start3A_341 = arith.constant 0 : i32
      %dma_start3A_342 = arith.constant 384 : i32
      %dma_start3A_343 = arith.constant 0 : i32
      %dma_start3A_344 = tpu.memref_slice %arg6[%dma_start3A_341, %dma_start3A_342, %dma_start3A_343] : memref<2x640x64xf32, #tpu.memory_space<vmem>> -> memref<1x128x64xf32, #tpu.memory_space<vmem>>
      %dma_start3A_345 = tpu.memref_squeeze %dma_start3A_344 : memref<1x128x64xf32, #tpu.memory_space<vmem>> -> memref<128x64xf32, #tpu.memory_space<vmem>>
      %dma_start3A_346 = tpu.memref_slice %arg5[%mul3A_340] : memref<6400xi32, #tpu.memory_space<vmem>> -> memref<128xi32, #tpu.memory_space<vmem>>
      %dma_start3A_347 = arith.constant 0 : i32
      %dma_start3A_348 = arith.constant 0 : i32
      %dma_start3A_349 = tpu.memref_slice %arg3[%dma_start3A_347, %dma_start3A_348] : memref<1000000x64xf32, #tpu.memory_space<hbm>> -> memref<1000000x64xf32, #tpu.memory_space<hbm>>
      tpu.enqueue_indirect_dma source(%dma_start3A_349 : memref<1000000x64xf32, #tpu.memory_space<hbm>>) target(%dma_start3A_345 : memref<128x64xf32, #tpu.memory_space<vmem>>) offsets(%dma_start3A_346 : memref<128xi32, #tpu.memory_space<vmem>>) semaphore(%arg7 : memref<!tpu.dma_semaphore, #tpu.memory_space<semaphore_mem>>)
      %mul3A_350 = arith.constant 5 : i32
      %mul3A_351 = arith.muli %mul3A_272, %mul3A_350 : i32
      %add3A_352 = arith.constant 4 : i32
      %add3A_353 = arith.addi %mul3A_351, %add3A_352 : i32
      %mul3A_354 = arith.constant 128 : i32
      %mul3A_355 = arith.muli %add3A_353, %mul3A_354 : i32
      %dma_start3A_356 = arith.constant 0 : i32
      %dma_start3A_357 = arith.constant 512 : i32
      %dma_start3A_358 = arith.constant 0 : i32
      %dma_start3A_359 = tpu.memref_slice %arg6[%dma_start3A_356, %dma_start3A_357, %dma_start3A_358] : memref<2x640x64xf32, #tpu.memory_space<vmem>> -> memref<1x128x64xf32, #tpu.memory_space<vmem>>
      %dma_start3A_360 = tpu.memref_squeeze %dma_start3A_359 : memref<1x128x64xf32, #tpu.memory_space<vmem>> -> memref<128x64xf32, #tpu.memory_space<vmem>>
      %dma_start3A_361 = tpu.memref_slice %arg5[%mul3A_355] : memref<6400xi32, #tpu.memory_space<vmem>> -> memref<128xi32, #tpu.memory_space<vmem>>
      %dma_start3A_362 = arith.constant 0 : i32
      %dma_start3A_363 = arith.constant 0 : i32
      %dma_start3A_364 = tpu.memref_slice %arg3[%dma_start3A_362, %dma_start3A_363] : memref<1000000x64xf32, #tpu.memory_space<hbm>> -> memref<1000000x64xf32, #tpu.memory_space<hbm>>
      tpu.enqueue_indirect_dma source(%dma_start3A_364 : memref<1000000x64xf32, #tpu.memory_space<hbm>>) target(%dma_start3A_360 : memref<128x64xf32, #tpu.memory_space<vmem>>) offsets(%dma_start3A_361 : memref<128xi32, #tpu.memory_space<vmem>>) semaphore(%arg7 : memref<!tpu.dma_semaphore, #tpu.memory_space<semaphore_mem>>)
      %dma_wait3A_365 = arith.constant 0 : i32
      %dma_wait3A_366 = arith.constant 0 : i32
      %dma_wait3A_367 = arith.constant 0 : i32
      %dma_wait3A_368 = tpu.memref_slice %arg6[%dma_wait3A_365, %dma_wait3A_366, %dma_wait3A_367] : memref<2x640x64xf32, #tpu.memory_space<vmem>> -> memref<1x128x64xf32, #tpu.memory_space<vmem>>
      %dma_wait3A_369 = tpu.memref_squeeze %dma_wait3A_368 : memref<1x128x64xf32, #tpu.memory_space<vmem>> -> memref<128x64xf32, #tpu.memory_space<vmem>>
      %dma_wait3A_370 = tpu.memref_slice %arg5[%mul3A_295] : memref<6400xi32, #tpu.memory_space<vmem>> -> memref<128xi32, #tpu.memory_space<vmem>>
      %dma_wait3A_371 = arith.constant 0 : i32
      %dma_wait3A_372 = arith.constant 0 : i32
      %dma_wait3A_373 = tpu.memref_slice %arg3[%dma_wait3A_371, %dma_wait3A_372] : memref<1000000x64xf32, #tpu.memory_space<hbm>> -> memref<1000000x64xf32, #tpu.memory_space<hbm>>
      tpu.wait_indirect_dma semaphore(%arg7 : memref<!tpu.dma_semaphore, #tpu.memory_space<semaphore_mem>>) src(%dma_wait3A_373 : memref<1000000x64xf32, #tpu.memory_space<hbm>>) dst(%dma_wait3A_369 : memref<128x64xf32, #tpu.memory_space<vmem>>)
      %dma_wait3A_374 = arith.constant 0 : i32
      %dma_wait3A_375 = arith.constant 128 : i32
      %dma_wait3A_376 = arith.constant 0 : i32
      %dma_wait3A_377 = tpu.memref_slice %arg6[%dma_wait3A_374, %dma_wait3A_375, %dma_wait3A_376] : memref<2x640x64xf32, #tpu.memory_space<vmem>> -> memref<1x128x64xf32, #tpu.memory_space<vmem>>
      %dma_wait3A_378 = tpu.memref_squeeze %dma_wait3A_377 : memref<1x128x64xf32, #tpu.memory_space<vmem>> -> memref<128x64xf32, #tpu.memory_space<vmem>>
      %dma_wait3A_379 = tpu.memref_slice %arg5[%mul3A_310] : memref<6400xi32, #tpu.memory_space<vmem>> -> memref<128xi32, #tpu.memory_space<vmem>>
      %dma_wait3A_380 = arith.constant 0 : i32
      %dma_wait3A_381 = arith.constant 0 : i32
      %dma_wait3A_382 = tpu.memref_slice %arg3[%dma_wait3A_380, %dma_wait3A_381] : memref<1000000x64xf32, #tpu.memory_space<hbm>> -> memref<1000000x64xf32, #tpu.memory_space<hbm>>
      tpu.wait_indirect_dma semaphore(%arg7 : memref<!tpu.dma_semaphore, #tpu.memory_space<semaphore_mem>>) src(%dma_wait3A_382 : memref<1000000x64xf32, #tpu.memory_space<hbm>>) dst(%dma_wait3A_378 : memref<128x64xf32, #tpu.memory_space<vmem>>)
      %dma_wait3A_383 = arith.constant 0 : i32
      %dma_wait3A_384 = arith.constant 256 : i32
      %dma_wait3A_385 = arith.constant 0 : i32
      %dma_wait3A_386 = tpu.memref_slice %arg6[%dma_wait3A_383, %dma_wait3A_384, %dma_wait3A_385] : memref<2x640x64xf32, #tpu.memory_space<vmem>> -> memref<1x128x64xf32, #tpu.memory_space<vmem>>
      %dma_wait3A_387 = tpu.memref_squeeze %dma_wait3A_386 : memref<1x128x64xf32, #tpu.memory_space<vmem>> -> memref<128x64xf32, #tpu.memory_space<vmem>>
      %dma_wait3A_388 = tpu.memref_slice %arg5[%mul3A_325] : memref<6400xi32, #tpu.memory_space<vmem>> -> memref<128xi32, #tpu.memory_space<vmem>>
      %dma_wait3A_389 = arith.constant 0 : i32
      %dma_wait3A_390 = arith.constant 0 : i32
      %dma_wait3A_391 = tpu.memref_slice %arg3[%dma_wait3A_389, %dma_wait3A_390] : memref<1000000x64xf32, #tpu.memory_space<hbm>> -> memref<1000000x64xf32, #tpu.memory_space<hbm>>
      tpu.wait_indirect_dma semaphore(%arg7 : memref<!tpu.dma_semaphore, #tpu.memory_space<semaphore_mem>>) src(%dma_wait3A_391 : memref<1000000x64xf32, #tpu.memory_space<hbm>>) dst(%dma_wait3A_387 : memref<128x64xf32, #tpu.memory_space<vmem>>)
      %dma_wait3A_392 = arith.constant 0 : i32
      %dma_wait3A_393 = arith.constant 384 : i32
      %dma_wait3A_394 = arith.constant 0 : i32
      %dma_wait3A_395 = tpu.memref_slice %arg6[%dma_wait3A_392, %dma_wait3A_393, %dma_wait3A_394] : memref<2x640x64xf32, #tpu.memory_space<vmem>> -> memref<1x128x64xf32, #tpu.memory_space<vmem>>
      %dma_wait3A_396 = tpu.memref_squeeze %dma_wait3A_395 : memref<1x128x64xf32, #tpu.memory_space<vmem>> -> memref<128x64xf32, #tpu.memory_space<vmem>>
      %dma_wait3A_397 = tpu.memref_slice %arg5[%mul3A_340] : memref<6400xi32, #tpu.memory_space<vmem>> -> memref<128xi32, #tpu.memory_space<vmem>>
      %dma_wait3A_398 = arith.constant 0 : i32
      %dma_wait3A_399 = arith.constant 0 : i32
      %dma_wait3A_400 = tpu.memref_slice %arg3[%dma_wait3A_398, %dma_wait3A_399] : memref<1000000x64xf32, #tpu.memory_space<hbm>> -> memref<1000000x64xf32, #tpu.memory_space<hbm>>
      tpu.wait_indirect_dma semaphore(%arg7 : memref<!tpu.dma_semaphore, #tpu.memory_space<semaphore_mem>>) src(%dma_wait3A_400 : memref<1000000x64xf32, #tpu.memory_space<hbm>>) dst(%dma_wait3A_396 : memref<128x64xf32, #tpu.memory_space<vmem>>)
      %dma_wait3A_401 = arith.constant 0 : i32
      %dma_wait3A_402 = arith.constant 512 : i32
      %dma_wait3A_403 = arith.constant 0 : i32
      %dma_wait3A_404 = tpu.memref_slice %arg6[%dma_wait3A_401, %dma_wait3A_402, %dma_wait3A_403] : memref<2x640x64xf32, #tpu.memory_space<vmem>> -> memref<1x128x64xf32, #tpu.memory_space<vmem>>
      %dma_wait3A_405 = tpu.memref_squeeze %dma_wait3A_404 : memref<1x128x64xf32, #tpu.memory_space<vmem>> -> memref<128x64xf32, #tpu.memory_space<vmem>>
      %dma_wait3A_406 = tpu.memref_slice %arg5[%mul3A_355] : memref<6400xi32, #tpu.memory_space<vmem>> -> memref<128xi32, #tpu.memory_space<vmem>>
      %dma_wait3A_407 = arith.constant 0 : i32
      %dma_wait3A_408 = arith.constant 0 : i32
      %dma_wait3A_409 = tpu.memref_slice %arg3[%dma_wait3A_407, %dma_wait3A_408] : memref<1000000x64xf32, #tpu.memory_space<hbm>> -> memref<1000000x64xf32, #tpu.memory_space<hbm>>
      tpu.wait_indirect_dma semaphore(%arg7 : memref<!tpu.dma_semaphore, #tpu.memory_space<semaphore_mem>>) src(%dma_wait3A_409 : memref<1000000x64xf32, #tpu.memory_space<hbm>>) dst(%dma_wait3A_405 : memref<128x64xf32, #tpu.memory_space<vmem>>)
      %mul3A_410 = arith.constant 640 : i32
      %mul3A_411 = arith.muli %mul3A_272, %mul3A_410 : i32
      %add3A_412 = arith.addi %mul3A_2, %mul3A_411 : i32
      %dma_start3A_413 = arith.constant 0 : i32
      %dma_start3A_414 = arith.constant 0 : i32
      %dma_start3A_415 = arith.constant 0 : i32
      %dma_start3A_416 = tpu.memref_slice %arg6[%dma_start3A_413, %dma_start3A_414, %dma_start3A_415] : memref<2x640x64xf32, #tpu.memory_space<vmem>> -> memref<1x640x64xf32, #tpu.memory_space<vmem>>
      %dma_start3A_417 = tpu.memref_squeeze %dma_start3A_416 : memref<1x640x64xf32, #tpu.memory_space<vmem>> -> memref<640x64xf32, #tpu.memory_space<vmem>>
      %dma_start3A_418 = arith.constant 0 : i32
      %dma_start3A_419 = tpu.memref_slice %arg4[%add3A_412, %dma_start3A_418] : memref<204800x64xf32, #tpu.memory_space<hbm>> -> memref<640x64xf32, #tpu.memory_space<hbm>>
      %dma_start3A_420 = arith.constant 0 : i32
      %dma_start3A_421 = tpu.memref_slice %arg4[%add3A_412, %dma_start3A_420] : memref<204800x64xf32, #tpu.memory_space<hbm>> -> memref<640x64xf32, #tpu.memory_space<hbm>>
      %dma_start3A_422 = arith.constant 0 : i32
      %dma_start3A_423 = arith.constant 0 : i32
      %dma_start3A_424 = tpu.memref_slice %arg6[%dma_start3A_413, %dma_start3A_422, %dma_start3A_423] : memref<2x640x64xf32, #tpu.memory_space<vmem>> -> memref<1x640x64xf32, #tpu.memory_space<vmem>>
      %dma_start3A_425 = tpu.memref_squeeze %dma_start3A_424 : memref<1x640x64xf32, #tpu.memory_space<vmem>> -> memref<640x64xf32, #tpu.memory_space<vmem>>
      tpu.enqueue_dma source(%dma_start3A_425 : memref<640x64xf32, #tpu.memory_space<vmem>>) target(%dma_start3A_421 : memref<640x64xf32, #tpu.memory_space<hbm>>) target_semaphore(%arg8 : memref<!tpu.dma_semaphore, #tpu.memory_space<semaphore_mem>>)
      %sub3A_426 = arith.constant 1 : i32
      %sub3A_427 = arith.subi %mul3A_272, %sub3A_426 : i32
      %mul3A_428 = arith.constant 640 : i32
      %mul3A_429 = arith.muli %sub3A_427, %mul3A_428 : i32
      %add3A_430 = arith.addi %mul3A_2, %mul3A_429 : i32
      %dma_wait3A_431 = arith.constant 1 : i32
      %dma_wait3A_432 = arith.constant 0 : i32
      %dma_wait3A_433 = arith.constant 0 : i32
      %dma_wait3A_434 = tpu.memref_slice %arg6[%dma_wait3A_431, %dma_wait3A_432, %dma_wait3A_433] : memref<2x640x64xf32, #tpu.memory_space<vmem>> -> memref<1x640x64xf32, #tpu.memory_space<vmem>>
      %dma_wait3A_435 = tpu.memref_squeeze %dma_wait3A_434 : memref<1x640x64xf32, #tpu.memory_space<vmem>> -> memref<640x64xf32, #tpu.memory_space<vmem>>
      %dma_wait3A_436 = arith.constant 0 : i32
      %dma_wait3A_437 = tpu.memref_slice %arg4[%add3A_430, %dma_wait3A_436] : memref<204800x64xf32, #tpu.memory_space<hbm>> -> memref<640x64xf32, #tpu.memory_space<hbm>>
      %dma_wait3A_438 = arith.constant 0 : i32
      %dma_wait3A_439 = tpu.memref_slice %arg4[%add3A_430, %dma_wait3A_438] : memref<204800x64xf32, #tpu.memory_space<hbm>> -> memref<640x64xf32, #tpu.memory_space<hbm>>
      %dma_wait3A_440 = arith.constant 0 : i32
      %dma_wait3A_441 = arith.constant 0 : i32
      %dma_wait3A_442 = tpu.memref_slice %arg6[%dma_wait3A_431, %dma_wait3A_440, %dma_wait3A_441] : memref<2x640x64xf32, #tpu.memory_space<vmem>> -> memref<1x640x64xf32, #tpu.memory_space<vmem>>
      %dma_wait3A_443 = tpu.memref_squeeze %dma_wait3A_442 : memref<1x640x64xf32, #tpu.memory_space<vmem>> -> memref<640x64xf32, #tpu.memory_space<vmem>>
      tpu.wait_dma2 semaphore(%arg9 : memref<!tpu.dma_semaphore, #tpu.memory_space<semaphore_mem>>) src(%dma_wait3A_443 : memref<640x64xf32, #tpu.memory_space<vmem>>) dst(%dma_wait3A_439 : memref<640x64xf32, #tpu.memory_space<hbm>>)
      %add3A_444 = arith.constant 1 : i32
      %add3A_445 = arith.addi %mul3A_272, %add3A_444 : i32
      %mul3A_446 = arith.constant 5 : i32
      %mul3A_447 = arith.muli %add3A_445, %mul3A_446 : i32
      %add3A_448 = arith.constant 0 : i32
      %add3A_449 = arith.addi %mul3A_447, %add3A_448 : i32
      %mul3A_450 = arith.constant 128 : i32
      %mul3A_451 = arith.muli %add3A_449, %mul3A_450 : i32
      %dma_start3A_452 = arith.constant 1 : i32
      %dma_start3A_453 = arith.constant 0 : i32
      %dma_start3A_454 = arith.constant 0 : i32
      %dma_start3A_455 = tpu.memref_slice %arg6[%dma_start3A_452, %dma_start3A_453, %dma_start3A_454] : memref<2x640x64xf32, #tpu.memory_space<vmem>> -> memref<1x128x64xf32, #tpu.memory_space<vmem>>
      %dma_start3A_456 = tpu.memref_squeeze %dma_start3A_455 : memref<1x128x64xf32, #tpu.memory_space<vmem>> -> memref<128x64xf32, #tpu.memory_space<vmem>>
      %dma_start3A_457 = tpu.memref_slice %arg5[%mul3A_451] : memref<6400xi32, #tpu.memory_space<vmem>> -> memref<128xi32, #tpu.memory_space<vmem>>
      %dma_start3A_458 = arith.constant 0 : i32
      %dma_start3A_459 = arith.constant 0 : i32
      %dma_start3A_460 = tpu.memref_slice %arg3[%dma_start3A_458, %dma_start3A_459] : memref<1000000x64xf32, #tpu.memory_space<hbm>> -> memref<1000000x64xf32, #tpu.memory_space<hbm>>
      tpu.enqueue_indirect_dma source(%dma_start3A_460 : memref<1000000x64xf32, #tpu.memory_space<hbm>>) target(%dma_start3A_456 : memref<128x64xf32, #tpu.memory_space<vmem>>) offsets(%dma_start3A_457 : memref<128xi32, #tpu.memory_space<vmem>>) semaphore(%arg7 : memref<!tpu.dma_semaphore, #tpu.memory_space<semaphore_mem>>)
      %mul3A_461 = arith.constant 5 : i32
      %mul3A_462 = arith.muli %add3A_445, %mul3A_461 : i32
      %add3A_463 = arith.constant 1 : i32
      %add3A_464 = arith.addi %mul3A_462, %add3A_463 : i32
      %mul3A_465 = arith.constant 128 : i32
      %mul3A_466 = arith.muli %add3A_464, %mul3A_465 : i32
      %dma_start3A_467 = arith.constant 1 : i32
      %dma_start3A_468 = arith.constant 128 : i32
      %dma_start3A_469 = arith.constant 0 : i32
      %dma_start3A_470 = tpu.memref_slice %arg6[%dma_start3A_467, %dma_start3A_468, %dma_start3A_469] : memref<2x640x64xf32, #tpu.memory_space<vmem>> -> memref<1x128x64xf32, #tpu.memory_space<vmem>>
      %dma_start3A_471 = tpu.memref_squeeze %dma_start3A_470 : memref<1x128x64xf32, #tpu.memory_space<vmem>> -> memref<128x64xf32, #tpu.memory_space<vmem>>
      %dma_start3A_472 = tpu.memref_slice %arg5[%mul3A_466] : memref<6400xi32, #tpu.memory_space<vmem>> -> memref<128xi32, #tpu.memory_space<vmem>>
      %dma_start3A_473 = arith.constant 0 : i32
      %dma_start3A_474 = arith.constant 0 : i32
      %dma_start3A_475 = tpu.memref_slice %arg3[%dma_start3A_473, %dma_start3A_474] : memref<1000000x64xf32, #tpu.memory_space<hbm>> -> memref<1000000x64xf32, #tpu.memory_space<hbm>>
      tpu.enqueue_indirect_dma source(%dma_start3A_475 : memref<1000000x64xf32, #tpu.memory_space<hbm>>) target(%dma_start3A_471 : memref<128x64xf32, #tpu.memory_space<vmem>>) offsets(%dma_start3A_472 : memref<128xi32, #tpu.memory_space<vmem>>) semaphore(%arg7 : memref<!tpu.dma_semaphore, #tpu.memory_space<semaphore_mem>>)
      %mul3A_476 = arith.constant 5 : i32
      %mul3A_477 = arith.muli %add3A_445, %mul3A_476 : i32
      %add3A_478 = arith.constant 2 : i32
      %add3A_479 = arith.addi %mul3A_477, %add3A_478 : i32
      %mul3A_480 = arith.constant 128 : i32
      %mul3A_481 = arith.muli %add3A_479, %mul3A_480 : i32
      %dma_start3A_482 = arith.constant 1 : i32
      %dma_start3A_483 = arith.constant 256 : i32
      %dma_start3A_484 = arith.constant 0 : i32
      %dma_start3A_485 = tpu.memref_slice %arg6[%dma_start3A_482, %dma_start3A_483, %dma_start3A_484] : memref<2x640x64xf32, #tpu.memory_space<vmem>> -> memref<1x128x64xf32, #tpu.memory_space<vmem>>
      %dma_start3A_486 = tpu.memref_squeeze %dma_start3A_485 : memref<1x128x64xf32, #tpu.memory_space<vmem>> -> memref<128x64xf32, #tpu.memory_space<vmem>>
      %dma_start3A_487 = tpu.memref_slice %arg5[%mul3A_481] : memref<6400xi32, #tpu.memory_space<vmem>> -> memref<128xi32, #tpu.memory_space<vmem>>
      %dma_start3A_488 = arith.constant 0 : i32
      %dma_start3A_489 = arith.constant 0 : i32
      %dma_start3A_490 = tpu.memref_slice %arg3[%dma_start3A_488, %dma_start3A_489] : memref<1000000x64xf32, #tpu.memory_space<hbm>> -> memref<1000000x64xf32, #tpu.memory_space<hbm>>
      tpu.enqueue_indirect_dma source(%dma_start3A_490 : memref<1000000x64xf32, #tpu.memory_space<hbm>>) target(%dma_start3A_486 : memref<128x64xf32, #tpu.memory_space<vmem>>) offsets(%dma_start3A_487 : memref<128xi32, #tpu.memory_space<vmem>>) semaphore(%arg7 : memref<!tpu.dma_semaphore, #tpu.memory_space<semaphore_mem>>)
      %mul3A_491 = arith.constant 5 : i32
      %mul3A_492 = arith.muli %add3A_445, %mul3A_491 : i32
      %add3A_493 = arith.constant 3 : i32
      %add3A_494 = arith.addi %mul3A_492, %add3A_493 : i32
      %mul3A_495 = arith.constant 128 : i32
      %mul3A_496 = arith.muli %add3A_494, %mul3A_495 : i32
      %dma_start3A_497 = arith.constant 1 : i32
      %dma_start3A_498 = arith.constant 384 : i32
      %dma_start3A_499 = arith.constant 0 : i32
      %dma_start3A_500 = tpu.memref_slice %arg6[%dma_start3A_497, %dma_start3A_498, %dma_start3A_499] : memref<2x640x64xf32, #tpu.memory_space<vmem>> -> memref<1x128x64xf32, #tpu.memory_space<vmem>>
      %dma_start3A_501 = tpu.memref_squeeze %dma_start3A_500 : memref<1x128x64xf32, #tpu.memory_space<vmem>> -> memref<128x64xf32, #tpu.memory_space<vmem>>
      %dma_start3A_502 = tpu.memref_slice %arg5[%mul3A_496] : memref<6400xi32, #tpu.memory_space<vmem>> -> memref<128xi32, #tpu.memory_space<vmem>>
      %dma_start3A_503 = arith.constant 0 : i32
      %dma_start3A_504 = arith.constant 0 : i32
      %dma_start3A_505 = tpu.memref_slice %arg3[%dma_start3A_503, %dma_start3A_504] : memref<1000000x64xf32, #tpu.memory_space<hbm>> -> memref<1000000x64xf32, #tpu.memory_space<hbm>>
      tpu.enqueue_indirect_dma source(%dma_start3A_505 : memref<1000000x64xf32, #tpu.memory_space<hbm>>) target(%dma_start3A_501 : memref<128x64xf32, #tpu.memory_space<vmem>>) offsets(%dma_start3A_502 : memref<128xi32, #tpu.memory_space<vmem>>) semaphore(%arg7 : memref<!tpu.dma_semaphore, #tpu.memory_space<semaphore_mem>>)
      %mul3A_506 = arith.constant 5 : i32
      %mul3A_507 = arith.muli %add3A_445, %mul3A_506 : i32
      %add3A_508 = arith.constant 4 : i32
      %add3A_509 = arith.addi %mul3A_507, %add3A_508 : i32
      %mul3A_510 = arith.constant 128 : i32
      %mul3A_511 = arith.muli %add3A_509, %mul3A_510 : i32
      %dma_start3A_512 = arith.constant 1 : i32
      %dma_start3A_513 = arith.constant 512 : i32
      %dma_start3A_514 = arith.constant 0 : i32
      %dma_start3A_515 = tpu.memref_slice %arg6[%dma_start3A_512, %dma_start3A_513, %dma_start3A_514] : memref<2x640x64xf32, #tpu.memory_space<vmem>> -> memref<1x128x64xf32, #tpu.memory_space<vmem>>
      %dma_start3A_516 = tpu.memref_squeeze %dma_start3A_515 : memref<1x128x64xf32, #tpu.memory_space<vmem>> -> memref<128x64xf32, #tpu.memory_space<vmem>>
      %dma_start3A_517 = tpu.memref_slice %arg5[%mul3A_511] : memref<6400xi32, #tpu.memory_space<vmem>> -> memref<128xi32, #tpu.memory_space<vmem>>
      %dma_start3A_518 = arith.constant 0 : i32
      %dma_start3A_519 = arith.constant 0 : i32
      %dma_start3A_520 = tpu.memref_slice %arg3[%dma_start3A_518, %dma_start3A_519] : memref<1000000x64xf32, #tpu.memory_space<hbm>> -> memref<1000000x64xf32, #tpu.memory_space<hbm>>
      tpu.enqueue_indirect_dma source(%dma_start3A_520 : memref<1000000x64xf32, #tpu.memory_space<hbm>>) target(%dma_start3A_516 : memref<128x64xf32, #tpu.memory_space<vmem>>) offsets(%dma_start3A_517 : memref<128xi32, #tpu.memory_space<vmem>>) semaphore(%arg7 : memref<!tpu.dma_semaphore, #tpu.memory_space<semaphore_mem>>)
      %dma_wait3A_521 = arith.constant 1 : i32
      %dma_wait3A_522 = arith.constant 0 : i32
      %dma_wait3A_523 = arith.constant 0 : i32
      %dma_wait3A_524 = tpu.memref_slice %arg6[%dma_wait3A_521, %dma_wait3A_522, %dma_wait3A_523] : memref<2x640x64xf32, #tpu.memory_space<vmem>> -> memref<1x128x64xf32, #tpu.memory_space<vmem>>
      %dma_wait3A_525 = tpu.memref_squeeze %dma_wait3A_524 : memref<1x128x64xf32, #tpu.memory_space<vmem>> -> memref<128x64xf32, #tpu.memory_space<vmem>>
      %dma_wait3A_526 = tpu.memref_slice %arg5[%mul3A_451] : memref<6400xi32, #tpu.memory_space<vmem>> -> memref<128xi32, #tpu.memory_space<vmem>>
      %dma_wait3A_527 = arith.constant 0 : i32
      %dma_wait3A_528 = arith.constant 0 : i32
      %dma_wait3A_529 = tpu.memref_slice %arg3[%dma_wait3A_527, %dma_wait3A_528] : memref<1000000x64xf32, #tpu.memory_space<hbm>> -> memref<1000000x64xf32, #tpu.memory_space<hbm>>
      tpu.wait_indirect_dma semaphore(%arg7 : memref<!tpu.dma_semaphore, #tpu.memory_space<semaphore_mem>>) src(%dma_wait3A_529 : memref<1000000x64xf32, #tpu.memory_space<hbm>>) dst(%dma_wait3A_525 : memref<128x64xf32, #tpu.memory_space<vmem>>)
      %dma_wait3A_530 = arith.constant 1 : i32
      %dma_wait3A_531 = arith.constant 128 : i32
      %dma_wait3A_532 = arith.constant 0 : i32
      %dma_wait3A_533 = tpu.memref_slice %arg6[%dma_wait3A_530, %dma_wait3A_531, %dma_wait3A_532] : memref<2x640x64xf32, #tpu.memory_space<vmem>> -> memref<1x128x64xf32, #tpu.memory_space<vmem>>
      %dma_wait3A_534 = tpu.memref_squeeze %dma_wait3A_533 : memref<1x128x64xf32, #tpu.memory_space<vmem>> -> memref<128x64xf32, #tpu.memory_space<vmem>>
      %dma_wait3A_535 = tpu.memref_slice %arg5[%mul3A_466] : memref<6400xi32, #tpu.memory_space<vmem>> -> memref<128xi32, #tpu.memory_space<vmem>>
      %dma_wait3A_536 = arith.constant 0 : i32
      %dma_wait3A_537 = arith.constant 0 : i32
      %dma_wait3A_538 = tpu.memref_slice %arg3[%dma_wait3A_536, %dma_wait3A_537] : memref<1000000x64xf32, #tpu.memory_space<hbm>> -> memref<1000000x64xf32, #tpu.memory_space<hbm>>
      tpu.wait_indirect_dma semaphore(%arg7 : memref<!tpu.dma_semaphore, #tpu.memory_space<semaphore_mem>>) src(%dma_wait3A_538 : memref<1000000x64xf32, #tpu.memory_space<hbm>>) dst(%dma_wait3A_534 : memref<128x64xf32, #tpu.memory_space<vmem>>)
      %dma_wait3A_539 = arith.constant 1 : i32
      %dma_wait3A_540 = arith.constant 256 : i32
      %dma_wait3A_541 = arith.constant 0 : i32
      %dma_wait3A_542 = tpu.memref_slice %arg6[%dma_wait3A_539, %dma_wait3A_540, %dma_wait3A_541] : memref<2x640x64xf32, #tpu.memory_space<vmem>> -> memref<1x128x64xf32, #tpu.memory_space<vmem>>
      %dma_wait3A_543 = tpu.memref_squeeze %dma_wait3A_542 : memref<1x128x64xf32, #tpu.memory_space<vmem>> -> memref<128x64xf32, #tpu.memory_space<vmem>>
      %dma_wait3A_544 = tpu.memref_slice %arg5[%mul3A_481] : memref<6400xi32, #tpu.memory_space<vmem>> -> memref<128xi32, #tpu.memory_space<vmem>>
      %dma_wait3A_545 = arith.constant 0 : i32
      %dma_wait3A_546 = arith.constant 0 : i32
      %dma_wait3A_547 = tpu.memref_slice %arg3[%dma_wait3A_545, %dma_wait3A_546] : memref<1000000x64xf32, #tpu.memory_space<hbm>> -> memref<1000000x64xf32, #tpu.memory_space<hbm>>
      tpu.wait_indirect_dma semaphore(%arg7 : memref<!tpu.dma_semaphore, #tpu.memory_space<semaphore_mem>>) src(%dma_wait3A_547 : memref<1000000x64xf32, #tpu.memory_space<hbm>>) dst(%dma_wait3A_543 : memref<128x64xf32, #tpu.memory_space<vmem>>)
      %dma_wait3A_548 = arith.constant 1 : i32
      %dma_wait3A_549 = arith.constant 384 : i32
      %dma_wait3A_550 = arith.constant 0 : i32
      %dma_wait3A_551 = tpu.memref_slice %arg6[%dma_wait3A_548, %dma_wait3A_549, %dma_wait3A_550] : memref<2x640x64xf32, #tpu.memory_space<vmem>> -> memref<1x128x64xf32, #tpu.memory_space<vmem>>
      %dma_wait3A_552 = tpu.memref_squeeze %dma_wait3A_551 : memref<1x128x64xf32, #tpu.memory_space<vmem>> -> memref<128x64xf32, #tpu.memory_space<vmem>>
      %dma_wait3A_553 = tpu.memref_slice %arg5[%mul3A_496] : memref<6400xi32, #tpu.memory_space<vmem>> -> memref<128xi32, #tpu.memory_space<vmem>>
      %dma_wait3A_554 = arith.constant 0 : i32
      %dma_wait3A_555 = arith.constant 0 : i32
      %dma_wait3A_556 = tpu.memref_slice %arg3[%dma_wait3A_554, %dma_wait3A_555] : memref<1000000x64xf32, #tpu.memory_space<hbm>> -> memref<1000000x64xf32, #tpu.memory_space<hbm>>
      tpu.wait_indirect_dma semaphore(%arg7 : memref<!tpu.dma_semaphore, #tpu.memory_space<semaphore_mem>>) src(%dma_wait3A_556 : memref<1000000x64xf32, #tpu.memory_space<hbm>>) dst(%dma_wait3A_552 : memref<128x64xf32, #tpu.memory_space<vmem>>)
      %dma_wait3A_557 = arith.constant 1 : i32
      %dma_wait3A_558 = arith.constant 512 : i32
      %dma_wait3A_559 = arith.constant 0 : i32
      %dma_wait3A_560 = tpu.memref_slice %arg6[%dma_wait3A_557, %dma_wait3A_558, %dma_wait3A_559] : memref<2x640x64xf32, #tpu.memory_space<vmem>> -> memref<1x128x64xf32, #tpu.memory_space<vmem>>
      %dma_wait3A_561 = tpu.memref_squeeze %dma_wait3A_560 : memref<1x128x64xf32, #tpu.memory_space<vmem>> -> memref<128x64xf32, #tpu.memory_space<vmem>>
      %dma_wait3A_562 = tpu.memref_slice %arg5[%mul3A_511] : memref<6400xi32, #tpu.memory_space<vmem>> -> memref<128xi32, #tpu.memory_space<vmem>>
      %dma_wait3A_563 = arith.constant 0 : i32
      %dma_wait3A_564 = arith.constant 0 : i32
      %dma_wait3A_565 = tpu.memref_slice %arg3[%dma_wait3A_563, %dma_wait3A_564] : memref<1000000x64xf32, #tpu.memory_space<hbm>> -> memref<1000000x64xf32, #tpu.memory_space<hbm>>
      tpu.wait_indirect_dma semaphore(%arg7 : memref<!tpu.dma_semaphore, #tpu.memory_space<semaphore_mem>>) src(%dma_wait3A_565 : memref<1000000x64xf32, #tpu.memory_space<hbm>>) dst(%dma_wait3A_561 : memref<128x64xf32, #tpu.memory_space<vmem>>)
      %mul3A_566 = arith.constant 640 : i32
      %mul3A_567 = arith.muli %add3A_445, %mul3A_566 : i32
      %add3A_568 = arith.addi %mul3A_2, %mul3A_567 : i32
      %dma_start3A_569 = arith.constant 1 : i32
      %dma_start3A_570 = arith.constant 0 : i32
      %dma_start3A_571 = arith.constant 0 : i32
      %dma_start3A_572 = tpu.memref_slice %arg6[%dma_start3A_569, %dma_start3A_570, %dma_start3A_571] : memref<2x640x64xf32, #tpu.memory_space<vmem>> -> memref<1x640x64xf32, #tpu.memory_space<vmem>>
      %dma_start3A_573 = tpu.memref_squeeze %dma_start3A_572 : memref<1x640x64xf32, #tpu.memory_space<vmem>> -> memref<640x64xf32, #tpu.memory_space<vmem>>
      %dma_start3A_574 = arith.constant 0 : i32
      %dma_start3A_575 = tpu.memref_slice %arg4[%add3A_568, %dma_start3A_574] : memref<204800x64xf32, #tpu.memory_space<hbm>> -> memref<640x64xf32, #tpu.memory_space<hbm>>
      %dma_start3A_576 = arith.constant 0 : i32
      %dma_start3A_577 = tpu.memref_slice %arg4[%add3A_568, %dma_start3A_576] : memref<204800x64xf32, #tpu.memory_space<hbm>> -> memref<640x64xf32, #tpu.memory_space<hbm>>
      %dma_start3A_578 = arith.constant 0 : i32
      %dma_start3A_579 = arith.constant 0 : i32
      %dma_start3A_580 = tpu.memref_slice %arg6[%dma_start3A_569, %dma_start3A_578, %dma_start3A_579] : memref<2x640x64xf32, #tpu.memory_space<vmem>> -> memref<1x640x64xf32, #tpu.memory_space<vmem>>
      %dma_start3A_581 = tpu.memref_squeeze %dma_start3A_580 : memref<1x640x64xf32, #tpu.memory_space<vmem>> -> memref<640x64xf32, #tpu.memory_space<vmem>>
      tpu.enqueue_dma source(%dma_start3A_581 : memref<640x64xf32, #tpu.memory_space<vmem>>) target(%dma_start3A_577 : memref<640x64xf32, #tpu.memory_space<hbm>>) target_semaphore(%arg9 : memref<!tpu.dma_semaphore, #tpu.memory_space<semaphore_mem>>)
    }
    %scan3A_239 = arith.constant 4 : i32
    %add3A_240 = arith.constant 5120 : i32
    %add3A_241 = arith.addi %mul3A_2, %add3A_240 : i32
    %dma_wait3A_242 = arith.constant 0 : i32
    %dma_wait3A_243 = arith.constant 0 : i32
    %dma_wait3A_244 = arith.constant 0 : i32
    %dma_wait3A_245 = tpu.memref_slice %arg6[%dma_wait3A_242, %dma_wait3A_243, %dma_wait3A_244] : memref<2x640x64xf32, #tpu.memory_space<vmem>> -> memref<1x640x64xf32, #tpu.memory_space<vmem>>
    %dma_wait3A_246 = tpu.memref_squeeze %dma_wait3A_245 : memref<1x640x64xf32, #tpu.memory_space<vmem>> -> memref<640x64xf32, #tpu.memory_space<vmem>>
    %dma_wait3A_247 = arith.constant 0 : i32
    %dma_wait3A_248 = tpu.memref_slice %arg4[%add3A_241, %dma_wait3A_247] : memref<204800x64xf32, #tpu.memory_space<hbm>> -> memref<640x64xf32, #tpu.memory_space<hbm>>
    %dma_wait3A_249 = arith.constant 0 : i32
    %dma_wait3A_250 = tpu.memref_slice %arg4[%add3A_241, %dma_wait3A_249] : memref<204800x64xf32, #tpu.memory_space<hbm>> -> memref<640x64xf32, #tpu.memory_space<hbm>>
    %dma_wait3A_251 = arith.constant 0 : i32
    %dma_wait3A_252 = arith.constant 0 : i32
    %dma_wait3A_253 = tpu.memref_slice %arg6[%dma_wait3A_242, %dma_wait3A_251, %dma_wait3A_252] : memref<2x640x64xf32, #tpu.memory_space<vmem>> -> memref<1x640x64xf32, #tpu.memory_space<vmem>>
    %dma_wait3A_254 = tpu.memref_squeeze %dma_wait3A_253 : memref<1x640x64xf32, #tpu.memory_space<vmem>> -> memref<640x64xf32, #tpu.memory_space<vmem>>
    tpu.wait_dma2 semaphore(%arg8 : memref<!tpu.dma_semaphore, #tpu.memory_space<semaphore_mem>>) src(%dma_wait3A_254 : memref<640x64xf32, #tpu.memory_space<vmem>>) dst(%dma_wait3A_250 : memref<640x64xf32, #tpu.memory_space<hbm>>)
    %add3A_255 = arith.constant 5760 : i32
    %add3A_256 = arith.addi %mul3A_2, %add3A_255 : i32
    %dma_wait3A_257 = arith.constant 1 : i32
    %dma_wait3A_258 = arith.constant 0 : i32
    %dma_wait3A_259 = arith.constant 0 : i32
    %dma_wait3A_260 = tpu.memref_slice %arg6[%dma_wait3A_257, %dma_wait3A_258, %dma_wait3A_259] : memref<2x640x64xf32, #tpu.memory_space<vmem>> -> memref<1x640x64xf32, #tpu.memory_space<vmem>>
    %dma_wait3A_261 = tpu.memref_squeeze %dma_wait3A_260 : memref<1x640x64xf32, #tpu.memory_space<vmem>> -> memref<640x64xf32, #tpu.memory_space<vmem>>
    %dma_wait3A_262 = arith.constant 0 : i32
    %dma_wait3A_263 = tpu.memref_slice %arg4[%add3A_256, %dma_wait3A_262] : memref<204800x64xf32, #tpu.memory_space<hbm>> -> memref<640x64xf32, #tpu.memory_space<hbm>>
    %dma_wait3A_264 = arith.constant 0 : i32
    %dma_wait3A_265 = tpu.memref_slice %arg4[%add3A_256, %dma_wait3A_264] : memref<204800x64xf32, #tpu.memory_space<hbm>> -> memref<640x64xf32, #tpu.memory_space<hbm>>
    %dma_wait3A_266 = arith.constant 0 : i32
    %dma_wait3A_267 = arith.constant 0 : i32
    %dma_wait3A_268 = tpu.memref_slice %arg6[%dma_wait3A_257, %dma_wait3A_266, %dma_wait3A_267] : memref<2x640x64xf32, #tpu.memory_space<vmem>> -> memref<1x640x64xf32, #tpu.memory_space<vmem>>
    %dma_wait3A_269 = tpu.memref_squeeze %dma_wait3A_268 : memref<1x640x64xf32, #tpu.memory_space<vmem>> -> memref<640x64xf32, #tpu.memory_space<vmem>>
    tpu.wait_dma2 semaphore(%arg9 : memref<!tpu.dma_semaphore, #tpu.memory_space<semaphore_mem>>) src(%dma_wait3A_269 : memref<640x64xf32, #tpu.memory_space<vmem>>) dst(%dma_wait3A_265 : memref<640x64xf32, #tpu.memory_space<hbm>>)
    return
  }
}

</mosaic_0001>

<sc_bundles>
// kernel: kernel.3.cloned.1.call-start
scs
__scs_entry_jumppad:
0x0: {  	(pc) =	sbr.rel $0x88, $3  }
0x1: {  	(tag) =	ssettag $0x0;
	lr =	simm.s32 $0x1  }
0x2: {  	[smem:$0x3F9F] =	sst lr;
	_ =	strace $0xD0000000  }
0x3: {  	_ = 	snop  }
0x4: {  	_ = 	snop  }
0x5: {  	_ = 	snop  }
0x6: {  	_ = 	snop  }
0x7: {  	_ = 	snop  }
__scs_overlays_trampoline_lowered:
0x8: {  	[smem:$0x3FAE] =	sst s0  }
0x9: {  	[smem:$0x3FAF] =	sst s1  }
0xa: {  	[smem:$0x3FB0] =	sst s2  }
0xb: {  	[smem:$0x3FB1] =	sst s3  }
0xc: {  	[smem:$0x3FB2] =	sst s4  }
0xd: {  	[smem:$0x3FB3] =	sst s5  }
0xe: {  	[smem:$0x3FB4] =	sst s6  }
0xf: {  	[smem:$0x3FB5] =	sst s7  }
0x10: {  	[smem:$0x3FB6] =	sst s8  }
0x11: {  	[smem:$0x3FB7] =	sst s9;
	s0 =	simm.s32 @!p0 $0x0  }
0x12: {  	s1 =	sld [smem:$0x3F9D];
	s0 =	simm.s32 @p0 $0x1  }
0x13: {  	[smem:$0x3FB8] =	sst s0;
	s0 =	simm.s32 @!p1 $0x0  }
0x14: {  	s2 =	sld [smem:$0x3F9C];
	s0 =	simm.s32 @p1 $0x1  }
0x15: {  	[smem:$0x3FB9] =	sst s0;
	s0 =	simm.s32 @!p2 $0x0  }
0x16: {  	s3 =	sld [smem:$0x3FDB];
	s0 =	simm.s32 @p2 $0x1  }
0x17: {  	s4 =	simm.s32 $0x1BF5;
	[smem:$0x3FBB] =	sst s0  }
0x18: {  	s0 =	sld [smem:$0x3F9E];
	_ =	swait.ge [sflag:s4], $0x0  }
0x19: {  	s7 =	sld [smem:$0x3F9F]  }
0x1a: {  	s8 =	sadd.s32 $0xFFFFE003, lr  }
0x1b: {  	s9 =	sadd.s32 $0xFFFFFEF7, lr;
	s5 =	simm.s32 $0xFFFFFFFF;
	p2 =	slt.u32 s8, $0xFFFFF086  }
0x1c: {  	p1 =	slt.u32 s9, $0xF7A;
	s5 =	simm.s32 @!p2 $0x0  }
0x1d: {  	s5 =	simm.s32 @p1 $0x1;
	p0 =	seq.s32 s7, s2  }
0x1e: {  	s7 =	smul.u32 @!p0 $0xF7A, s2;
	p2 =	seq.s32 @!p0 s5, $0x0  }
0x1f: {  	s9 =	smul.u32 $0xF7A, s1;
	s8 =	simm.s32 @!p0 $0x1BF5;
	p2 =	por !p2, p0  }
0x20: {  	[sflag:s8] =	ssyncset.s32 @!p0 $0xFFFFF086;
	s6 =	sadd.s32 @!p0 s3, s7;
	s7 =	simm.s32 @!p0 $0x108  }
0x21: {  	s3 =	sadd.s32 s3, s9;
	s6 =	sadd.s32 @!p0 $0x88, s6;
	s7 =	simm.s32 @p2 $0x1082  }
0x22: {  	[simem:s7], [sflag:s8] =	dma.local @!p0 [hbm:s6], $0xF7A  }
0x23: {  	s9 =	sor.u32 $0xD0000000, s2;
	s6 =	simm.s32 $0x108;
	_ =	swait.ge @!p0 [sflag:s8], $0x0  }
0x24: {  	s3 =	sadd.s32 $0x88, s3;
	s6 =	simm.s32 @!p1 $0x1082;
	[sflag:s4] =	ssyncset.s32 $0xFFFFF086  }
0x25: {  	[simem:s6], [sflag:s4] =	dma.local [hbm:s3], $0xF7A  }
0x26: {  	[smem:$0x3F9F] =	sst s1;
	(tag) =	ssettag s2;
	_ =	strace s9  }
0x27: {  	s1 =	sld [smem:$0x3FAF]  }
0x28: {  	s2 =	sld [smem:$0x3FB0]  }
0x29: {  	s4 =	sld [smem:$0x3FB2]  }
0x2a: {  	p0 =	seq.s32 s5, $0x0;
	s5 =	sld [smem:$0x3FB3]  }
0x2b: {  	s6 =	sld [smem:$0x3FB4]  }
0x2c: {  	s7 =	sld [smem:$0x3FB5]  }
0x2d: {  	s3 =	simm.s32 $0x108;
	s8 =	sld [smem:$0x3FB6]  }
0x2e: {  	s3 =	simm.s32 @!p0 $0x1082;
	s9 =	sld [smem:$0x3FB7]  }
0x2f: {  	lr =	sadd.s32 s0, s3;
	s0 =	sld [smem:$0x3FAE]  }
0x30: {  	s3 =	sld [smem:$0x3FB1]  }
0x31: {  	[smem:$0x3FBA] =	sst s10  }
0x32: {  	s10 =	sld [smem:$0x3FB8];
	_ =	sdelay $0x3  }
0x33: {  	p0 =	seq.s32 s10, $0x1;
	s10 =	sld [smem:$0x3FBA];
	_ =	sdelay $0x3  }
0x34: {  	[smem:$0x3FBA] =	sst s10  }
0x35: {  	s10 =	sld [smem:$0x3FB9];
	_ =	sdelay $0x3  }
0x36: {  	p1 =	seq.s32 s10, $0x1;
	s10 =	sld [smem:$0x3FBA];
	_ =	sdelay $0x3  }
0x37: {  	[smem:$0x3FBA] =	sst s10  }
0x38: {  	s10 =	sld [smem:$0x3FBB]  }
0x39: {  	_ = 	snop;
	(pc) =	sbr.ind lr, $3  }
0x3a: {  	_ = 	snop  }
0x3b: {  	_ = 	snop  }
0x3c: {  	p2 =	seq.s32 s10, $0x1;
	s10 =	sld [smem:$0x3FBA]  }
0x3d: {  	_ =	shalt  }
0x3e: {  	_ =	shalt  }
0x3f: {  	_ =	shalt  }
0x40: {  	_ =	shalt  }
0x41: {  	_ =	shalt  }
0x42: {  	_ =	shalt  }
0x43: {  	_ =	shalt  }
0x44: {  	_ =	shalt  }
0x45: {  	_ =	shalt  }
0x46: {  	_ =	shalt  }
0x47: {  	_ =	shalt  }
0x48: {  	_ =	shalt  }
0x49: {  	_ =	shalt  }
0x4a: {  	_ =	shalt  }
0x4b: {  	_ =	shalt  }
0x4c: {  	_ =	shalt  }
0x4d: {  	_ =	shalt  }
0x4e: {  	_ =	shalt  }
0x4f: {  	_ =	shalt  }
0x50: {  	_ =	shalt  }
0x51: {  	_ =	shalt  }
0x52: {  	_ =	shalt  }
0x53: {  	_ =	shalt  }
0x54: {  	_ =	shalt  }
0x55: {  	_ =	shalt  }
0x56: {  	_ =	shalt  }
0x57: {  	_ =	shalt  }
0x58: {  	_ =	shalt  }
0x59: {  	_ =	shalt  }
0x5a: {  	_ =	shalt  }
0x5b: {  	_ =	shalt  }
0x5c: {  	_ =	shalt  }
0x5d: {  	_ =	shalt  }
0x5e: {  	_ =	shalt  }
0x5f: {  	_ =	shalt  }
0x60: {  	_ =	shalt  }
0x61: {  	_ =	shalt  }
0x62: {  	_ =	shalt  }
0x63: {  	_ =	shalt  }
0x64: {  	_ =	shalt  }
0x65: {  	_ =	shalt  }
0x66: {  	_ =	shalt  }
0x67: {  	_ =	shalt  }
0x68: {  	_ =	shalt  }
0x69: {  	_ =	shalt  }
0x6a: {  	_ =	shalt  }
0x6b: {  	_ =	shalt  }
0x6c: {  	_ =	shalt  }
0x6d: {  	_ =	shalt  }
0x6e: {  	_ =	shalt  }
0x6f: {  	_ =	shalt  }
0x70: {  	_ =	shalt  }
0x71: {  	_ =	shalt  }
0x72: {  	_ =	shalt  }
0x73: {  	_ =	shalt  }
0x74: {  	_ =	shalt  }
0x75: {  	_ =	shalt  }
0x76: {  	_ =	shalt  }
0x77: {  	_ =	shalt  }
0x78: {  	_ =	shalt  }
0x79: {  	_ =	shalt  }
0x7a: {  	_ =	shalt  }
0x7b: {  	_ =	shalt  }
0x7c: {  	_ =	shalt  }
0x7d: {  	_ =	shalt  }
0x7e: {  	_ =	shalt  }
0x7f: {  	_ =	shalt  }
0x80: {  	_ =	shalt  }
0x81: {  	_ =	shalt  }
0x82: {  	_ =	shalt  }
0x83: {  	_ =	shalt  }
0x84: {  	_ =	shalt  }
0x85: {  	_ =	shalt  }
0x86: {  	_ =	shalt  }
0x87: {  	_ =	shalt  }
.Lfunc_end0:
.L_simem_size_0:
called_computation.1_lowered:
.L_overlay_start_0:
0x88: {  	s2 =	sld [smem:$0x3FD9]  }
0x89: {  	s3 =	sld [smem:$0x3FFE];
	_ =	sdelay $0x1  }
0x8a: {  	s1 =	srdreg.scid  }
0x8b: {  	s0 =	sand.u32 $0x1, s1  }
0x8c: {  	s17 =	sshll.u32 s0, $0xA;
	s2 =	sadd.s32 s3, s2  }
0x8d: {  	s2 =	sadd.s32 s2, s17  }
0x8e: {  	[smem:$0x3FC6] =	sst s2  }
0x8f: {  	_ = 	snop  }
0x90: {  	s2 =	sld [smem:$0x3FD0];
	(tm) =	ssettm $0x1  }
0x91: {  	s18 =	sld [smem:$0x3FFB];
	_ =	sdelay $0x3  }
0x92: {  	_ =	strace s18  }
0x93: {  	s3 =	sld [smem:$0x3FFC];
	_ =	sdelay $0x3  }
0x94: {  	_ =	strace s3  }
0x95: {  	s3 =	sld [smem:$0x3FFD];
	_ =	sdelay $0x3  }
0x96: {  	_ =	strace s3  }
0x97: {  	_ =	strace $0x8FFFFFFF  }
0x98: {  	s19 =	sld [smem:$0x3FDB];
	_ =	sdelay $0x1  }
0x99: {  	s4 =	simm.s32 $_scs_section_size  }
0x9a: {  	s5 =	simm.s32 $_size__tile_overlayer_lowered;
	s6 =	simm.s32 $_tile_overlayer_lowered  }
0x9b: {  	s22 =	simm.s32 $0x1BFF;
	s21 =	sshll.u32 s6, $0x1;
	s3 =	sadd.s32 s4, s19  }
0x9c: {  	s7 =	simm.s32 $0x0;
	s20 =	sshll.u32 s5, $0x1;
	s5 =	sadd.s32 s21, s3  }
0x9d: {  	[timem:s7], [sflag:s22] =	dma.local [hbm:s5], s20  }
0x9e: {  	_ =	swait.ge [sflag:s22], s20  }
0x9f: {  	s4 =	ssub.s32 $0x0, s20;
	[sflag:s22] =	ssyncset.done $0x0  }
0xa0: {  	[sflag:s22] =	ssyncadd.s32 s4;
	_ =	sdelay $0x1  }
0xa1: {  	s23 =	simm.s32 $0x1B8B  }
0xa2: {  	_ =	swait.ge [sflag:s23], $0x1  }
0xa3: {  	[sflag:s23] =	ssyncset.done $0x0  }
0xa4: {  	s25 =	simm.s32 $0x1B8E;
	s24 =	sld [smem:$0x3FFE];
	[sflag:s23] =	ssyncadd.s32 $0xFFFFFFFF  }
0xa5: {  	s26 =	simm.s32 $execute0_lowered;
	[smem:$0x3FD2] =	sst s25  }
0xa6: {  	s5 =	sshll.u32 s26, $0x1;
	_ =	strace $0x80000046;
	[dreg:$0x1] =	wrdreg $0xFFFFFFFF  }
0xa7: {  	s28 =	simm.s32 $_size_execute0_lowered;
	s3 =	sadd.s32 s3, s5;
	[dreg:$0x0] =	wrdreg $0x0  }
0xa8: {  	s5 =	sshll.u32 s28, $0x1;
	[dreg:$0x2] =	wrdreg s3  }
0xa9: {  	[dreg:$0x3] =	wrdreg s5  }
0xaa: {  	[dreg:$0x4] =	wrdreg $0xC0  }
0xab: {  	_ =	task [dreg:s7], $0x5FFFF  }
0xac: {  	[dreg:$0x1] =	wrdreg $0xFFFFFFFF  }
0xad: {  	[dreg:$0x0] =	wrdreg $0x60  }
0xae: {  	[dreg:$0x2] =	wrdreg s24  }
0xaf: {  	[dreg:$0x3] =	wrdreg s2  }
0xb0: {  	[dreg:$0x4] =	wrdreg $0x9  }
0xb1: {  	_ =	task.clear_ibuf [dreg:s7], $0x5FFFF;
	_ =	strace $0x90000046  }
0xb2: {  	s29 =	simm.s32 $0x9;
	_ =	strace $0x80000048  }
0xb3: {  	_ =	swait.ge [sflag:s29], $0x1  }
0xb4: {  	[sflag:s29] =	ssyncadd.s32 $0xFFFFFFFF  }
0xb5: {  	_ =	strace $0x90000048  }
0xb6: {  	_ =	sfence  }
0xb7: {  	s30 =	sld [smem:$0x0];
	_ =	sdelay $0x2  }
0xb8: {  	s31 =	sshll.u32 s1, $0xD;
	s1 =	sshrl.u32 s1, $0x2  }
0xb9: {  	s3 =	sand.u32 $0x4000, s31;
	s1 =	sadd.s32 s1, s30  }
0xba: {  	s0 =	sor.u32 s3, s0;
	s1 =	sshll.u32 s1, $0x11  }
0xbb: {  	s0 =	sor.u32 s1, s0  }
0xbc: {  	s0 =	sadd.s32 $0x8F2B, s0  }
0xbd: {  	[sflag:s0] =	ssyncadd.remote.s32 $0x1  }
0xbe: {  	_ =	sfence.sel $0xFFFF  }
0xbf: {  	[dreg:$0x0] =	wrdreg $0xFFFFFFFF;
	(pc) =	sbr.abs _section_cstart, $3  }
0xc0: {  	[dreg:$0x1] =	wrdreg $0xFFFFFFFF  }
0xc1: {  	_ =	task.clear_ibuf [dreg:s7], $0x2FFFF;
	_ =	strace $0x9FFFFFFF  }
0xc2: {  	(tm) =	ssettm $0x7FFFFFFF  }
0xc3: {  	_ =	shalt  }
tec
execute0_lowered:
.L_overlay_start_1:
0x0: {  	(tag) =	ssettag $0x1  }
0x1: {  	s0 =	srdreg.scid;
	s1 =	rddreg [dreg:$0x0]  }
0x2: {  	s5 =	stileid.u32;
	s6 =	rddreg [dreg:$0x1]  }
0x3: {  	s10 =	simm.s32 $0x1;
	s11 =	simm.s32 $0x80;
	s12 =	simm.s32 $0x1900  }
0x4: {  	s13 =	simm.s32 $0x3900;
	s15 =	simm.s32 $0x5900;
	s17 =	simm.s32 $0x7900  }
0x5: {  	s19 =	simm.s32 $0x9900;
	s21 =	simm.s32 $0xB900;
	s23 =	simm.s32 $0xD900  }
0x6: {  	s28 =	simm.s32 $0x11900;
	s29 =	simm.s32 $0x480;
	s30 =	simm.s32 $0x13900  }
0x7: {  	s0 =	sand.u32 $0x1, s0;
	s2 =	sshll.u32 s5, $0x1;
	s5 =	smul.u32 $0x3200, s5  }
0x8: {  	s4 =	sor.u32 s0, s2;
	s8 =	ssub.s32 $0x2, s0;
	s0 =	smul.u32 $0x1900, s0  }
0x9: {  	s31 =	simm.s32 $0x2;
	s2 =	simm.s32 $0x0;
	s3 =	smul.u32 $0x1900, s4  }
0xa: {  	[smem:$0x7FF] =	sst s2;
	s24 =	sshrl.u32 s8, $0x1;
	s9 =	smul.u32 $0x64000, s4  }
0xb: {  	s25 =	smul.u32 $0xC800, s4;
	_ =	strace $0x80000047;
	s0 =	sadd.s32 s0, s5  }
0xc: {  	s3 =	sshrl.u32 s3, $0x3;
	s26 =	sshrl.u32 s9, $0x3;
	s0 =	sshll.u32 s0, $0x3  }
0xd: {  	s5 =	sadd.s32 s6, s25;
	s25 =	simm.s32 $0xF900;
	s7 =	sadd.s32 s3, s1  }
0xe: {  	s3 =	sadd.s32 $0xF42E00, s1;
	s1 =	ssub.s32 s8, s24;
	s0 =	sadd.s32 s6, s0  }
0xf: {  	s4 =	sadd.s32 $0xA00, s7;
	s7 =	sadd.s32 s6, s26;
	s8 =	sadd.s32 $0x2800, s0  }
0x10: {  	s20 =	sadd.s32 $0x3C00, s0;
	s26 =	simm.s32 $0x400;
	s0 =	simm.s32 $0x0  }
0x11: {  	s6 =	sadd.s32 $0x1400, s7;
	s7 =	smax.u32 s1, $0x1;
	s1 =	simm.s32 $0x3  }
.LBB2_1:
0x12: {  	[tilespmem:s2], [sflag:$0x1] =	stream.linear.gather [hbm4b:s4+s2], $0x1900, $0x38;
	[tilespmem:$0x15900] =	vst v63  }
0x13: {  	_ =	swait.ge [sflag:s10], $0x1900  }
0x14: {  	[sflag:s10] =	ssyncset.done $0x0  }
0x15: {  	[sflag:s10] =	ssyncadd.s32 $0xFFFFE700  }
0x16: {  	[tilespmem:s12], [sflag:$0x1] =	stream.indirect.gather [hbm4b:s3+s11], $0x40, s2, s11, $0xb8;
	[tilespmem:$0x15900] =	vst v63  }
0x17: {  	_ = 	snop  }
0x18: {  	[tilespmem:s13], [sflag:$0x1] =	stream.indirect.gather [hbm4b:s3+s11], $0x40, s11, s11, $0xb8;
	[tilespmem:$0x15900] =	vst v63  }
0x19: {  	s9 =	simm.s32 $0x100  }
0x1a: {  	[tilespmem:s15], [sflag:$0x1] =	stream.indirect.gather [hbm4b:s3+s11], $0x40, s9, s11, $0xb8;
	[tilespmem:$0x15900] =	vst v63  }
0x1b: {  	s14 =	simm.s32 $0x180  }
0x1c: {  	[tilespmem:s17], [sflag:$0x1] =	stream.indirect.gather [hbm4b:s3+s11], $0x40, s14, s11, $0xb8;
	[tilespmem:$0x15900] =	vst v63  }
0x1d: {  	s16 =	simm.s32 $0x200  }
0x1e: {  	[tilespmem:s19], [sflag:$0x1] =	stream.indirect.gather [hbm4b:s3+s11], $0x40, s16, s11, $0xb8;
	[tilespmem:$0x15900] =	vst v63  }
0x1f: {  	_ =	swait.ge [sflag:s10], $0x2000  }
0x20: {  	[sflag:s10] =	ssyncset.done $0x0  }
0x21: {  	[sflag:s10] =	ssyncadd.s32 $0xFFFFE000  }
0x22: {  	_ =	swait.ge [sflag:s10], $0x2000  }
0x23: {  	[sflag:s10] =	ssyncset.done $0x0  }
0x24: {  	[sflag:s10] =	ssyncadd.s32 $0xFFFFE000  }
0x25: {  	_ =	swait.ge [sflag:s10], $0x2000  }
0x26: {  	[sflag:s10] =	ssyncset.done $0x0  }
0x27: {  	[sflag:s10] =	ssyncadd.s32 $0xFFFFE000  }
0x28: {  	_ =	swait.ge [sflag:s10], $0x2000  }
0x29: {  	[sflag:s10] =	ssyncset.done $0x0  }
0x2a: {  	[sflag:s10] =	ssyncadd.s32 $0xFFFFE000  }
0x2b: {  	_ =	swait.ge [sflag:s10], $0x2000  }
0x2c: {  	[sflag:s10] =	ssyncset.done $0x0  }
0x2d: {  	[sflag:s10] =	ssyncadd.s32 $0xFFFFE000  }
0x2e: {  	[hbm4b:s5+s2] =	stream.linear.scatter [tilespmem:s12], [sflag:$0x2], $0xA000, $0x38;
	[tilespmem:$0x15900] =	vst v63  }
0x2f: {  	s18 =	simm.s32 $0x280  }
0x30: {  	[tilespmem:s21], [sflag:$0x1] =	stream.indirect.gather [hbm4b:s3+s11], $0x40, s18, s11, $0xb8;
	[tilespmem:$0x15900] =	vst v63  }
0x31: {  	s22 =	simm.s32 $0x300  }
0x32: {  	[tilespmem:s23], [sflag:$0x1] =	stream.indirect.gather [hbm4b:s3+s11], $0x40, s22, s11, $0xb8;
	[tilespmem:$0x15900] =	vst v63  }
0x33: {  	s24 =	simm.s32 $0x380  }
0x34: {  	[tilespmem:s25], [sflag:$0x1] =	stream.indirect.gather [hbm4b:s3+s11], $0x40, s24, s11, $0xb8;
	[tilespmem:$0x15900] =	vst v63  }
0x35: {  	_ = 	snop  }
0x36: {  	[tilespmem:s28], [sflag:$0x1] =	stream.indirect.gather [hbm4b:s3+s11], $0x40, s26, s11, $0xb8;
	[tilespmem:$0x15900] =	vst v63  }
0x37: {  	_ = 	snop  }
0x38: {  	[tilespmem:s30], [sflag:$0x1] =	stream.indirect.gather [hbm4b:s3+s11], $0x40, s29, s11, $0xb8;
	[tilespmem:$0x15900] =	vst v63  }
0x39: {  	_ =	swait.ge [sflag:s10], $0x2000  }
0x3a: {  	[sflag:s10] =	ssyncset.done $0x0  }
0x3b: {  	[sflag:s10] =	ssyncadd.s32 $0xFFFFE000  }
0x3c: {  	_ =	swait.ge [sflag:s10], $0x2000  }
0x3d: {  	[sflag:s10] =	ssyncset.done $0x0  }
0x3e: {  	[sflag:s10] =	ssyncadd.s32 $0xFFFFE000  }
0x3f: {  	_ =	swait.ge [sflag:s10], $0x2000  }
0x40: {  	[sflag:s10] =	ssyncset.done $0x0  }
0x41: {  	[sflag:s10] =	ssyncadd.s32 $0xFFFFE000  }
0x42: {  	_ =	swait.ge [sflag:s10], $0x2000  }
0x43: {  	[sflag:s10] =	ssyncset.done $0x0  }
0x44: {  	[sflag:s10] =	ssyncadd.s32 $0xFFFFE000  }
0x45: {  	_ =	swait.ge [sflag:s10], $0x2000  }
0x46: {  	[sflag:s10] =	ssyncset.done $0x0  }
0x47: {  	[sflag:s10] =	ssyncadd.s32 $0xFFFFE000  }
0x48: {  	[hbm4b:s6+s2] =	stream.linear.scatter [tilespmem:s21], [sflag:$0x3], $0xA000, $0x38;
	[tilespmem:$0x15900] =	vst v63  }
0x49: {  	_ =	swait.ge [sflag:s31], $0xA000  }
0x4a: {  	[sflag:s31] =	ssyncset.done $0x0  }
0x4b: {  	s14 =	simm.s32 $0x500;
	[sflag:s31] =	ssyncadd.s32 $0xFFFF6000  }
0x4c: {  	[tilespmem:s12], [sflag:$0x1] =	stream.indirect.gather [hbm4b:s3+s11], $0x40, s14, s11, $0xb8;
	[tilespmem:$0x15900] =	vst v63  }
0x4d: {  	s16 =	simm.s32 $0x580  }
0x4e: {  	[tilespmem:s13], [sflag:$0x1] =	stream.indirect.gather [hbm4b:s3+s11], $0x40, s16, s11, $0xb8;
	[tilespmem:$0x15900] =	vst v63  }
0x4f: {  	s18 =	simm.s32 $0x600  }
0x50: {  	[tilespmem:s15], [sflag:$0x1] =	stream.indirect.gather [hbm4b:s3+s11], $0x40, s18, s11, $0xb8;
	[tilespmem:$0x15900] =	vst v63  }
0x51: {  	s22 =	simm.s32 $0x680  }
0x52: {  	[tilespmem:s17], [sflag:$0x1] =	stream.indirect.gather [hbm4b:s3+s11], $0x40, s22, s11, $0xb8;
	[tilespmem:$0x15900] =	vst v63  }
0x53: {  	s24 =	simm.s32 $0x700  }
0x54: {  	[tilespmem:s19], [sflag:$0x1] =	stream.indirect.gather [hbm4b:s3+s11], $0x40, s24, s11, $0xb8;
	[tilespmem:$0x15900] =	vst v63  }
0x55: {  	_ =	swait.ge [sflag:s10], $0x2000  }
0x56: {  	[sflag:s10] =	ssyncset.done $0x0  }
0x57: {  	[sflag:s10] =	ssyncadd.s32 $0xFFFFE000  }
0x58: {  	_ =	swait.ge [sflag:s10], $0x2000  }
0x59: {  	[sflag:s10] =	ssyncset.done $0x0  }
0x5a: {  	[sflag:s10] =	ssyncadd.s32 $0xFFFFE000  }
0x5b: {  	_ =	swait.ge [sflag:s10], $0x2000  }
0x5c: {  	[sflag:s10] =	ssyncset.done $0x0  }
0x5d: {  	[sflag:s10] =	ssyncadd.s32 $0xFFFFE000  }
0x5e: {  	_ =	swait.ge [sflag:s10], $0x2000  }
0x5f: {  	[sflag:s10] =	ssyncset.done $0x0  }
0x60: {  	[sflag:s10] =	ssyncadd.s32 $0xFFFFE000  }
0x61: {  	_ =	swait.ge [sflag:s10], $0x2000  }
0x62: {  	[sflag:s10] =	ssyncset.done $0x0  }
0x63: {  	[sflag:s10] =	ssyncadd.s32 $0xFFFFE000  }
0x64: {  	[hbm4b:s8+s2] =	stream.linear.scatter [tilespmem:s12], [sflag:$0x2], $0xA000, $0x38;
	[tilespmem:$0x15900] =	vst v63  }
0x65: {  	_ =	swait.ge [sflag:s1], $0xA000  }
0x66: {  	[sflag:s1] =	ssyncset.done $0x0  }
0x67: {  	s14 =	simm.s32 $0x780;
	[sflag:s1] =	ssyncadd.s32 $0xFFFF6000  }
0x68: {  	[tilespmem:s21], [sflag:$0x1] =	stream.indirect.gather [hbm4b:s3+s11], $0x40, s14, s11, $0xb8;
	[tilespmem:$0x15900] =	vst v63  }
0x69: {  	s16 =	simm.s32 $0x800  }
0x6a: {  	[tilespmem:s23], [sflag:$0x1] =	stream.indirect.gather [hbm4b:s3+s11], $0x40, s16, s11, $0xb8;
	[tilespmem:$0x15900] =	vst v63  }
0x6b: {  	s18 =	simm.s32 $0x880  }
0x6c: {  	[tilespmem:s25], [sflag:$0x1] =	stream.indirect.gather [hbm4b:s3+s11], $0x40, s18, s11, $0xb8;
	[tilespmem:$0x15900] =	vst v63  }
0x6d: {  	s22 =	simm.s32 $0x900  }
0x6e: {  	[tilespmem:s28], [sflag:$0x1] =	stream.indirect.gather [hbm4b:s3+s11], $0x40, s22, s11, $0xb8;
	[tilespmem:$0x15900] =	vst v63  }
0x6f: {  	s24 =	simm.s32 $0x980  }
0x70: {  	[tilespmem:s30], [sflag:$0x1] =	stream.indirect.gather [hbm4b:s3+s11], $0x40, s24, s11, $0xb8;
	[tilespmem:$0x15900] =	vst v63  }
0x71: {  	_ =	swait.ge [sflag:s10], $0x2000  }
0x72: {  	[sflag:s10] =	ssyncset.done $0x0  }
0x73: {  	[sflag:s10] =	ssyncadd.s32 $0xFFFFE000  }
0x74: {  	_ =	swait.ge [sflag:s10], $0x2000  }
0x75: {  	[sflag:s10] =	ssyncset.done $0x0  }
0x76: {  	[sflag:s10] =	ssyncadd.s32 $0xFFFFE000  }
0x77: {  	_ =	swait.ge [sflag:s10], $0x2000  }
0x78: {  	[sflag:s10] =	ssyncset.done $0x0  }
0x79: {  	[sflag:s10] =	ssyncadd.s32 $0xFFFFE000  }
0x7a: {  	_ =	swait.ge [sflag:s10], $0x2000  }
0x7b: {  	[sflag:s10] =	ssyncset.done $0x0  }
0x7c: {  	[sflag:s10] =	ssyncadd.s32 $0xFFFFE000  }
0x7d: {  	_ =	swait.ge [sflag:s10], $0x2000  }
0x7e: {  	s9 =	smov.u32 s20;
	s14 =	simm.s32 $0x1400;
	[sflag:s10] =	ssyncset.done $0x0  }
0x7f: {  	s16 =	sadd.s32 $0x2800, s8;
	s18 =	sadd.s32 $0x2800, s20;
	[sflag:s10] =	ssyncadd.s32 $0xFFFFE000  }
.LBB2_2:
0x80: {  	[hbm4b:s9+s2] =	stream.linear.scatter [tilespmem:s21], [sflag:$0x3], $0xA000, $0x38;
	[tilespmem:$0x15900] =	vst v63  }
0x81: {  	s22 =	smov.u32 s14;
	s9 =	smov.u32 s18  }
0x82: {  	p0 =	sne.s32 s14, $0x3C00;
	s14 =	sadd.s32 $0x1400, s14;
	_ =	swait.ge [sflag:s31], $0xA000  }
0x83: {  	s22 =	sshra.s32 s22, $0x2;
	[sflag:s31] =	ssyncset.done $0x0  }
0x84: {  	s24 =	sadd.s32 $0x500, s22;
	[sflag:s31] =	ssyncadd.s32 $0xFFFF6000  }
0x85: {  	[tilespmem:s12], [sflag:$0x1] =	stream.indirect.gather [hbm4b:s3+s11], $0x40, s24, s11, $0xb8;
	[tilespmem:$0x15900] =	vst v63  }
0x86: {  	s24 =	sadd.s32 $0x580, s22  }
0x87: {  	[tilespmem:s13], [sflag:$0x1] =	stream.indirect.gather [hbm4b:s3+s11], $0x40, s24, s11, $0xb8;
	[tilespmem:$0x15900] =	vst v63  }
0x88: {  	s24 =	sadd.s32 $0x600, s22  }
0x89: {  	[tilespmem:s15], [sflag:$0x1] =	stream.indirect.gather [hbm4b:s3+s11], $0x40, s24, s11, $0xb8;
	[tilespmem:$0x15900] =	vst v63  }
0x8a: {  	s24 =	sadd.s32 $0x680, s22  }
0x8b: {  	[tilespmem:s17], [sflag:$0x1] =	stream.indirect.gather [hbm4b:s3+s11], $0x40, s24, s11, $0xb8;
	[tilespmem:$0x15900] =	vst v63  }
0x8c: {  	s24 =	sadd.s32 $0x700, s22  }
0x8d: {  	[tilespmem:s19], [sflag:$0x1] =	stream.indirect.gather [hbm4b:s3+s11], $0x40, s24, s11, $0xb8;
	[tilespmem:$0x15900] =	vst v63  }
0x8e: {  	_ =	swait.ge [sflag:s10], $0x2000  }
0x8f: {  	[sflag:s10] =	ssyncset.done $0x0  }
0x90: {  	[sflag:s10] =	ssyncadd.s32 $0xFFFFE000  }
0x91: {  	_ =	swait.ge [sflag:s10], $0x2000  }
0x92: {  	[sflag:s10] =	ssyncset.done $0x0  }
0x93: {  	[sflag:s10] =	ssyncadd.s32 $0xFFFFE000  }
0x94: {  	_ =	swait.ge [sflag:s10], $0x2000  }
0x95: {  	[sflag:s10] =	ssyncset.done $0x0  }
0x96: {  	[sflag:s10] =	ssyncadd.s32 $0xFFFFE000  }
0x97: {  	_ =	swait.ge [sflag:s10], $0x2000  }
0x98: {  	[sflag:s10] =	ssyncset.done $0x0  }
0x99: {  	[sflag:s10] =	ssyncadd.s32 $0xFFFFE000  }
0x9a: {  	_ =	swait.ge [sflag:s10], $0x2000  }
0x9b: {  	[sflag:s10] =	ssyncset.done $0x0  }
0x9c: {  	[sflag:s10] =	ssyncadd.s32 $0xFFFFE000  }
0x9d: {  	[hbm4b:s16+s2] =	stream.linear.scatter [tilespmem:s12], [sflag:$0x2], $0xA000, $0x38;
	[tilespmem:$0x15900] =	vst v63  }
0x9e: {  	_ =	swait.ge [sflag:s1], $0xA000  }
0x9f: {  	[sflag:s1] =	ssyncset.done $0x0  }
0xa0: {  	s24 =	sadd.s32 $0x780, s22;
	[sflag:s1] =	ssyncadd.s32 $0xFFFF6000  }
0xa1: {  	[tilespmem:s21], [sflag:$0x1] =	stream.indirect.gather [hbm4b:s3+s11], $0x40, s24, s11, $0xb8;
	[tilespmem:$0x15900] =	vst v63  }
0xa2: {  	s24 =	sadd.s32 $0x800, s22  }
0xa3: {  	[tilespmem:s23], [sflag:$0x1] =	stream.indirect.gather [hbm4b:s3+s11], $0x40, s24, s11, $0xb8;
	[tilespmem:$0x15900] =	vst v63  }
0xa4: {  	s24 =	sadd.s32 $0x880, s22  }
0xa5: {  	[tilespmem:s25], [sflag:$0x1] =	stream.indirect.gather [hbm4b:s3+s11], $0x40, s24, s11, $0xb8;
	[tilespmem:$0x15900] =	vst v63  }
0xa6: {  	s24 =	sadd.s32 $0x900, s22  }
0xa7: {  	[tilespmem:s28], [sflag:$0x1] =	stream.indirect.gather [hbm4b:s3+s11], $0x40, s24, s11, $0xb8;
	[tilespmem:$0x15900] =	vst v63  }
0xa8: {  	s22 =	sadd.s32 $0x980, s22  }
0xa9: {  	[tilespmem:s30], [sflag:$0x1] =	stream.indirect.gather [hbm4b:s3+s11], $0x40, s22, s11, $0xb8;
	[tilespmem:$0x15900] =	vst v63  }
0xaa: {  	_ =	swait.ge [sflag:s10], $0x2000  }
0xab: {  	[sflag:s10] =	ssyncset.done $0x0  }
0xac: {  	[sflag:s10] =	ssyncadd.s32 $0xFFFFE000  }
0xad: {  	_ =	swait.ge [sflag:s10], $0x2000  }
0xae: {  	[sflag:s10] =	ssyncset.done $0x0  }
0xaf: {  	[sflag:s10] =	ssyncadd.s32 $0xFFFFE000  }
0xb0: {  	_ =	swait.ge [sflag:s10], $0x2000  }
0xb1: {  	[sflag:s10] =	ssyncset.done $0x0  }
0xb2: {  	[sflag:s10] =	ssyncadd.s32 $0xFFFFE000  }
0xb3: {  	_ =	swait.ge [sflag:s10], $0x2000  }
.Ltmp0:
0xb4: {  	[sflag:s10] =	ssyncset.done $0x0;
	(pc) =	sbr.rel @p0 .LBB2_2-.Ltmp0, $4  }
0xb5: {  	[sflag:s10] =	ssyncadd.s32 $0xFFFFE000  }
0xb6: {  	_ =	swait.ge [sflag:s10], $0x2000  }
0xb7: {  	[sflag:s10] =	ssyncset.done $0x0  }
0xb8: {  	s18 =	sadd.s32 $0x2800, s18;
	s16 =	sadd.s32 $0x2800, s16;
	[sflag:s10] =	ssyncadd.s32 $0xFFFFE000  }
0xb9: {  	[hbm4b:s9+s2] =	stream.linear.scatter [tilespmem:s21], [sflag:$0x3], $0xA000, $0x38;
	[tilespmem:$0x15900] =	vst v63  }
0xba: {  	s0 =	sadd.s32 $0x1, s0  }
0xbb: {  	_ =	swait.ge [sflag:s31], $0xA000;
	p0 =	sne.s32 s0, s7  }
.Ltmp1:
0xbc: {  	[sflag:s31] =	ssyncset.done $0x0;
	(pc) =	sbr.rel @p0 .LBB2_1-.Ltmp1, $4  }
0xbd: {  	[sflag:s31] =	ssyncadd.s32 $0xFFFF6000  }
0xbe: {  	_ =	swait.ge [sflag:s1], $0xA000  }
0xbf: {  	[sflag:s1] =	ssyncset.done $0x0  }
0xc0: {  	[sflag:s1] =	ssyncadd.s32 $0xFFFF6000  }
0xc1: {  	_ =	sfence.sel $0x180000  }
0xc2: {  	[bflag:$0x0] =	sbarrier.arrive $0xFFFF  }
0xc3: {  	_ =	strace $0x90000047  }
0xc4: {  	s0 =	stileid.u32;
	[bflag:$0x2] =	sbarrier.arrive $0xFFFF  }
0xc5: {  	p0 =	sne.s32 s0, $0x0;
	s0 =	rddreg [dreg:$0x2]  }
0xc6: {  	s0 =	sadd.s32 @!p0 $0x100000, s0  }
0xc7: {  	[sflag:s0] =	ssyncadd.tile.s32 @!p0 $0x1;
	_ =	shalt  }
.Lfunc_end2:
_tile_overlayer_lowered:
.L_overlay_start_2:
0xc8: {  	(tag) =	ssettag $0x2  }
0xc9: {  	s0 =	rddreg [dreg:$0x0];
	s2 =	stileid.u32  }
0xca: {  	s1 =	rddreg [dreg:$0x1];
	p0 =	sne.s32 s2, $0x0  }
0xcb: {  	s3 =	rddreg [dreg:$0x2];
	[bflag:$0x3] =	sbarrier.arrive $0xFFFF;
	s2 =	simm.s32 @!p0 $0x1C04  }
0xcc: {  	[timem:s3], [sflag:s2] =	dma.local @!p0 [hbm:s0], s1  }
0xcd: {  	s0 =	simm.s32 @!p0 $0x4  }
0xce: {  	_ =	swait.ge @!p0 [sflag:s0], s1  }
0xcf: {  	s1 =	ssub.s32 @!p0 $0x0, s1;
	[sflag:s0] =	ssyncset.done @!p0 $0x0  }
0xd0: {  	[sflag:s0] =	ssyncadd.s32 @!p0 s1  }
0xd1: {  	[bflag:$0x3] =	sbarrier.arrive $0xFFFF  }
0xd2: {  	_ =	shalt  }

// kernel: sparse-core-data-format-call.cloned.1.call-start
scs
called_computation_lowered:
.L_overlay_start_0:
0x0: {  	s2 =	sld [smem:$0x3FD9]  }
0x1: {  	s3 =	sld [smem:$0x3FFE];
	_ =	sdelay $0x1  }
0x2: {  	s1 =	srdreg.scid  }
0x3: {  	s0 =	sand.u32 $0x1, s1  }
0x4: {  	s18 =	sshll.u32 s0, $0xA;
	s2 =	sadd.s32 s3, s2  }
0x5: {  	s2 =	sadd.s32 s2, s18  }
0x6: {  	[smem:$0x3FC6] =	sst s2  }
0x7: {  	_ = 	snop  }
0x8: {  	s2 =	sld [smem:$0x3FD0];
	(tm) =	ssettm $0x1  }
0x9: {  	s19 =	sld [smem:$0x3FFB];
	_ =	sdelay $0x3  }
0xa: {  	_ =	strace s19  }
0xb: {  	s3 =	sld [smem:$0x3FFC];
	_ =	sdelay $0x3  }
0xc: {  	_ =	strace s3  }
0xd: {  	s3 =	sld [smem:$0x3FFD];
	_ =	sdelay $0x3  }
0xe: {  	_ =	strace s3  }
0xf: {  	_ =	strace $0x8FFFFFFF  }
0x10: {  	s20 =	sld [smem:$0x3FDB];
	_ =	sdelay $0x1  }
0x11: {  	s4 =	simm.s32 $_scs_section_size  }
0x12: {  	s5 =	simm.s32 $_size__tile_overlayer_lowered;
	s6 =	simm.s32 $_tile_overlayer_lowered  }
0x13: {  	s23 =	simm.s32 $0x1BFF;
	s22 =	sshll.u32 s6, $0x1;
	s3 =	sadd.s32 s4, s20  }
0x14: {  	s7 =	simm.s32 $0x0;
	s21 =	sshll.u32 s5, $0x1;
	s5 =	sadd.s32 s22, s3  }
0x15: {  	[timem:s7], [sflag:s23] =	dma.local [hbm:s5], s21  }
0x16: {  	_ =	swait.ge [sflag:s23], s21  }
0x17: {  	s4 =	ssub.s32 $0x0, s21;
	[sflag:s23] =	ssyncset.done $0x0  }
0x18: {  	[sflag:s23] =	ssyncadd.s32 s4;
	_ =	sdelay $0x1  }
0x19: {  	s24 =	simm.s32 $0x1B8B  }
0x1a: {  	_ =	swait.ge [sflag:s24], $0x1  }
0x1b: {  	[sflag:s24] =	ssyncset.done $0x0  }
0x1c: {  	s26 =	simm.s32 $0x1B8E;
	s25 =	sld [smem:$0x3FFE];
	[sflag:s24] =	ssyncadd.s32 $0xFFFFFFFF  }
0x1d: {  	s27 =	simm.s32 $execute0_lowered;
	[smem:$0x3FD2] =	sst s26  }
0x1e: {  	s5 =	sshll.u32 s27, $0x1;
	_ =	strace $0x80000049;
	[dreg:$0x1] =	wrdreg $0xFFFFFFFF  }
0x1f: {  	s28 =	simm.s32 $_size_execute0_lowered;
	s3 =	sadd.s32 s3, s5;
	[dreg:$0x0] =	wrdreg $0x0  }
0x20: {  	s5 =	sshll.u32 s28, $0x1;
	[dreg:$0x2] =	wrdreg s3  }
0x21: {  	[dreg:$0x3] =	wrdreg s5  }
0x22: {  	[dreg:$0x4] =	wrdreg $0xC0  }
0x23: {  	_ =	task [dreg:s7], $0x5FFFF  }
0x24: {  	[dreg:$0x1] =	wrdreg $0xFFFFFFFF  }
0x25: {  	[dreg:$0x0] =	wrdreg $0x60  }
0x26: {  	[dreg:$0x2] =	wrdreg s25  }
0x27: {  	[dreg:$0x3] =	wrdreg s2  }
0x28: {  	[dreg:$0x4] =	wrdreg $0x9  }
0x29: {  	_ =	task.clear_ibuf [dreg:s7], $0x5FFFF;
	_ =	strace $0x90000049  }
0x2a: {  	s29 =	simm.s32 $0x9;
	_ =	strace $0x8000004B  }
0x2b: {  	_ =	swait.ge [sflag:s29], $0x1  }
0x2c: {  	[sflag:s29] =	ssyncadd.s32 $0xFFFFFFFF  }
0x2d: {  	_ =	strace $0x9000004B  }
0x2e: {  	_ =	sfence  }
0x2f: {  	s30 =	sld [smem:$0x0];
	_ =	sdelay $0x2  }
0x30: {  	s31 =	sshll.u32 s1, $0xD;
	s1 =	sshrl.u32 s1, $0x2  }
0x31: {  	s3 =	sand.u32 $0x4000, s31;
	s1 =	sadd.s32 s1, s30  }
0x32: {  	s0 =	sor.u32 s3, s0;
	s1 =	sshll.u32 s1, $0x11  }
0x33: {  	s0 =	sor.u32 s1, s0  }
0x34: {  	s0 =	sadd.s32 $0x8F2B, s0  }
0x35: {  	[sflag:s0] =	ssyncadd.remote.s32 $0x1  }
0x36: {  	_ =	sfence.sel $0xFFFF  }
0x37: {  	[dreg:$0x0] =	wrdreg $0xFFFFFFFF;
	(pc) =	sbr.abs _section_cstart, $3  }
0x38: {  	[dreg:$0x1] =	wrdreg $0xFFFFFFFF  }
0x39: {  	_ =	task.clear_ibuf [dreg:s7], $0x2FFFF;
	_ =	strace $0x9FFFFFFF  }
0x3a: {  	(tm) =	ssettm $0x7FFFFFFF  }
0x3b: {  	_ =	shalt  }
tec
execute0_lowered:
.L_overlay_start_1:
0x0: {  	(tag) =	ssettag $0x1  }
0x1: {  	s0 =	srdreg.scid  }
0x2: {  	s1 =	sshll.u32 s0, $0x4  }
0x3: {  	s0 =	stileid.u32;
	s1 =	sand.u32 $0x10, s1  }
0x4: {  	s1 =	sor.u32 s0, s1  }
0x5: {  	s6 =	rddreg [dreg:$0x0];
	s4 =	simm.s32 $0x1;
	s2 =	sshll.u32 s1, $0x7  }
0x6: {  	s7 =	simm.s32 $0x2;
	s12 =	simm.s32 $0x0;
	s1 =	ssub.s32 $0x1000, s2  }
0x7: {  	s8 =	simm.s32 $0x8000;
	s13 =	simm.s32 $0x0;
	s3 =	sand.u32 $0xF80, s1  }
0x8: {  	s9 =	simm.s32 $0x0;
	s5 =	sshrl.u32 s1, $0xC;
	p0 =	sne.s32 s3, $0x0  }
.Ltmp0:
0x9: {  	s1 =	rddreg [dreg:$0x2];
	s4 =	simm.s32 @!p0 $0x0;
	(pc) =	sbr.rel .LBB1_1-.Ltmp0, $4  }
0xa: {  	s11 =	simm.s32 $0x0;
	s3 =	rddreg [dreg:$0x1];
	s5 =	sadd.s32 s4, s5  }
0xb: {  	_ =	strace $0x8000004A;
	s4 =	simm.s32 $0x1;
	s5 =	smul.u32 $0x32, s5  }
0xc: {  	s6 =	sadd.s32 $0xA00, s6;
	s10 =	smov.u32 s2;
	[sflag:s4] =	ssyncpa.u1 $0x0  }
0xd: {  	p0 =	por $0x0, $0x0;
	[sflag:s7] =	ssyncpa.u1 $0x0;
	s7 =	sor.u32 $0x1, s5  }
.LBB1_4:
0xe: {  	s16 =	sshll.u32 s13, $0x3;
	s17 =	sand.u32 $0x78, s13  }
0xf: {  	s30 =	sand.u32 $0x7E00, s13;
	s12 =	sshll.u32 s12, $0xF;
	s16 =	sand.u32 $0xC00, s16  }
0x10: {  	[tilespmem:s15+$0x810 ss:$0x81] =	vst.msk $0xffff, v2;
	s31 =	sand.u32 $0x7, s13;
	s16 =	sor.u32 s17, s16;
	s17 =	sadd.s32 s3, s30  }
0x11: {  	[tilespmem:s15+$0x1020 ss:$0x81] =	vst.msk $0xffff, v0;
	s13 =	sshll.u32 s31, $0x12;
	s12 =	sadd.s32 s12, s17;
	s16 =	sshrl.u32 s16, $0x3  }
0x12: {  	[tilespmem:s15+$0x0 ss:$0x81] =	vst.msk $0xffff, v1;
	s13 =	sor.u32 $0x400, s13;
	s12 =	sadd.s32 s16, s12  }
0x13: {  	[hbm4b:s12+s13] =	stream.strided.scatter [tilespmem:s14], [sflag:$0x2], $0x2000, s8, s13, $0x20;
	[tilespmem:$0x8080] =	vst v63  }
.LBB1_5:
0x14: {  	s14 =	sadd.s32 $0x1, s9  }
0x15: {  	s12 =	sadd.s32 $0x1000, s10;
	s16 =	smov.u32 s10;
	p2 =	sgt.s32 s14, $0x31  }
0x16: {  	s16 =	smov.u32 @p2 s12  }
0x17: {  	s14 =	simm.s32 @p2 $0x0;
	p2 =	sgt.s32 s16, $0xFFF  }
0x18: {  	s16 =	smov.u32 @p2 s2;
	p2 =	sne.s32 s11, s7  }
.Ltmp1:
0x19: {  	p1 =	slt.u32 s11, $0x2;
	(pc) =	sbr.rel @!p2 .LBB1_6-.Ltmp1, $4  }
0x1a: {  	s15 =	simm.s32 @!p1 $0x2  }
0x1b: {  	s13 =	smov.u32 s10;
	p0 =	por !p0, !p0;
	_ =	swait.ge @!p1 [sflag:s15], $0x2000  }
0x1c: {  	s12 =	smov.u32 s9;
	[sflag:s15] =	ssyncset.done @!p1 $0x0;
	s9 =	smov.u32 s14  }
0x1d: {  	s11 =	sadd.s32 $0x1, s11;
	[sflag:s15] =	ssyncadd.s32 @!p1 $0xFFFFE000;
	s10 =	smov.u32 s16  }
.LBB1_1:
0x1e: {  	p1 =	sge.u32 s11, s5  }
0x1f: {  	s14 =	sand.u32 @!p1 $0x1FFFFFF, s9  }
0x20: {  	s15 =	smulhi.u32 @!p1 $0x4924925, s14;
	_ =	sdelay $0x1  }
0x21: {  	s15 =	smul.u32 @!p1 $0x38, s15  }
0x22: {  	s16 =	sxor.u32 @!p1 $0xFFFFFFFF, s11;
	s17 =	smul.u32 @!p1 $0x380, s10  }
0x23: {  	s31 =	sadd.s32 $0xFFFFFFFF, s11;
	s16 =	sshll.u32 @!p1 s16, $0xD;
	s14 =	ssub.s32 @!p1 s14, s15  }
0x24: {  	s15 =	sand.u32 @!p1 $0x2000, s16;
	s16 =	sadd.s32 @!p1 s6, s17;
	s14 =	sshll.u32 @!p1 s14, $0x4  }
0x25: {  	s17 =	simm.s32 @!p1 $0x1C00;
	s14 =	sadd.s32 @!p1 s14, s16;
	s16 =	simm.s32 @!p1 $0x40  }
0x26: {  	[tilespmem:s15], [sflag:$0x1] =	stream.strided.gather @!p1 [hbm4b:s14+s16], $0x2000, s17, s16, $0x38;
	[tilespmem:$0x8080] =	vst v63  }
0x27: {  	p1 =	sge.u32 s31, s5  }
.Ltmp2:
0x28: {  	_ = 	snop;
	(pc) =	sbr.rel @p1 .LBB1_5-.Ltmp2, $1  }
0x29: {  	_ =	sdelay $0x3  }
0x2a: {  	s14 =	simm.s32 $0x1  }
0x2b: {  	_ =	swait.ge [sflag:s4], $0x2000;
	s14 =	simm.s32 @!p0 $0x0  }
0x2c: {  	[sflag:s4] =	ssyncset.done $0x0;
	s15 =	sshll.u32 s14, $0xD  }
0x2d: {  	[sflag:s4] =	ssyncadd.s32 $0xFFFFE000;
	s18 =	sor.u32 $0x20, s15  }
0x2e: {  	s14 =	smul.u32 $0x8100, s14;
	v3 =	vld [tilespmem:s18+$0x10]  }
0x2f: {  	s30 =	sand.u32 $0x1, s11;
	v2 =	vld [tilespmem:s18+$0xFFFFFFF0]  }
0x30: {  	s15 =	smul.u32 $0x8100, s30;
	s14 =	sshrl.u32 s14, $0x2;
	v0 =	vld [tilespmem:s18+$0x0]  }
0x31: {  	v1 =	vld [tilespmem:s18+$0xFFFFFFE0];
	s16 =	sor.u32 $0x4000, s14  }
0x32: {  	s31 =	sshrl.u32 s15, $0x2;
	s15 =	sadd.s32 $0x0, s16  }
0x33: {  	s17 =	simm.s32 $0x4;
	s18 =	sadd.s32 $0x40, s18;
	s14 =	sor.u32 $0x4000, s31;
	[tilespmem:s15+$0x1830 ss:$0x81] =	vst.msk $0xffff, v3  }
.LBB1_3:
0x34: {  	v3 =	vld [tilespmem:s18+$0x10];
	p1 =	sne.s32 s17, $0x1FC;
	[tilespmem:s15+$0x810 ss:$0x81] =	vst.msk $0xffff, v2;
	s19 =	smov.u32 s17;
	s17 =	sadd.s32 $0x4, s17  }
.Ltmp3:
0x35: {  	v2 =	vld [tilespmem:s18+$0xFFFFFFF0];
	[tilespmem:s15+$0x1020 ss:$0x81] =	vst.msk $0xffff, v0;
	(pc) =	sbr.rel @p1 .LBB1_3-.Ltmp3, $4  }
0x36: {  	v0 =	vld [tilespmem:s18+$0x0];
	[tilespmem:s15+$0x0 ss:$0x81] =	vst.msk $0xffff, v1  }
0x37: {  	s15 =	sshra.s32 s19, $0x2;
	v1 =	vld [tilespmem:s18+$0xFFFFFFE0]  }
0x38: {  	s15 =	sadd.s32 s15, s16  }
0x39: {  	s18 =	sadd.s32 $0x40, s18;
	[tilespmem:s15+$0x1830 ss:$0x81] =	vst.msk $0xffff, v3  }
.Ltmp4:
0x3a: {  	_ = 	snop;
	(pc) =	sbr.rel .LBB1_4-.Ltmp4, $1  }
0x3b: {  	_ =	sdelay $0x3  }
.LBB1_6:
0x3c: {  	_ =	sfence.sel $0x180000  }
0x3d: {  	s2 =	simm.s32 $0x1;
	[bflag:$0x0] =	sbarrier.arrive $0xFFFF  }
0x3e: {  	s31 =	simm.s32 $0x2;
	[sflag:s2] =	ssyncpa.u1 $0x1  }
0x3f: {  	[sflag:s31] =	ssyncpa.u1 $0x1  }
0x40: {  	p0 =	sne.s32 s0, $0x0;
	_ =	strace $0x9000004A  }
0x41: {  	s0 =	sadd.s32 @!p0 $0x100000, s1;
	[bflag:$0x2] =	sbarrier.arrive $0xFFFF  }
0x42: {  	[sflag:s0] =	ssyncadd.tile.s32 @!p0 $0x1;
	_ =	shalt  }
.Lfunc_end1:
_tile_overlayer_lowered:
.L_overlay_start_2:
0x43: {  	(tag) =	ssettag $0x2  }
0x44: {  	s0 =	rddreg [dreg:$0x0];
	s2 =	stileid.u32  }
0x45: {  	s1 =	rddreg [dreg:$0x1];
	p0 =	sne.s32 s2, $0x0  }
0x46: {  	s3 =	rddreg [dreg:$0x2];
	[bflag:$0x3] =	sbarrier.arrive $0xFFFF;
	s2 =	simm.s32 @!p0 $0x1C01  }
0x47: {  	[timem:s3], [sflag:s2] =	dma.local @!p0 [hbm:s0], s1  }
0x48: {  	s0 =	simm.s32 @!p0 $0x1  }
0x49: {  	_ =	swait.ge @!p0 [sflag:s0], s1  }
0x4a: {  	s1 =	ssub.s32 @!p0 $0x0, s1;
	[sflag:s0] =	ssyncset.done @!p0 $0x0  }
0x4b: {  	[sflag:s0] =	ssyncadd.s32 @!p0 s1  }
0x4c: {  	[bflag:$0x3] =	sbarrier.arrive $0xFFFF  }
0x4d: {  	_ =	shalt  }

</sc_bundles>
